<compile_context>
chip_gen: v7x
topology: tpu7x:2x2x1
jax: 0.10.2.dev20260603
libtpu: 0.0.44.dev20260713+nightly
codegen_flags: <defaults>
</compile_context>

<pallas_src>
import jax
import jax.numpy as jnp
from jax import lax
from jax.experimental import pallas as pl
from jax.experimental.pallas import tpu as pltpu
from jax.experimental.pallas import tpu_sc as plsc

N_NODES = 50000
D = 128
FILTER = 10

NW = 32
GROUP = 112
IDX_PER_ROW = 11
B_PAD = 50176
HALF = B_PAD // 2
ROWS_PER_W = HALF // NW
GROUPS_PER_W = ROWS_PER_W // GROUP
IDX_PER_GROUP = GROUP * IDX_PER_ROW

BM = 6272


def _sc_body(feat_hbm, idx_hbm, out_hbm, idx_v, self_v, acc_v, sem):
    wid = lax.axis_index("s") * 2 + lax.axis_index("c")
    zeros16 = jnp.zeros((16,), jnp.float32)

    def group_body(g, carry):
        idx_base = (wid * GROUPS_PER_W + g) * IDX_PER_GROUP
        idx_cp = pltpu.async_copy(
            idx_hbm.at[pl.ds(idx_base, IDX_PER_GROUP)], idx_v, sem
        )

        def zero_body(r, c):
            for v in range(D // 16):
                acc_v[r, pl.ds(v * 16, 16)] = zeros16
            return c

        lax.fori_loop(0, GROUP, zero_body, 0)
        idx_cp.wait()

        copies = [
            pltpu.async_copy(
                feat_hbm.at[idx_v.at[pl.ds(0, GROUP)]], self_v, sem
            )
        ] + [
            pltpu.async_copy(
                feat_hbm.at[idx_v.at[pl.ds(j * GROUP, GROUP)]],
                acc_v,
                sem,
                add=True,
            )
            for j in range(1, IDX_PER_ROW)
        ]
        for c in copies:
            c.wait()

        row0 = wid * ROWS_PER_W + g * GROUP
        pltpu.sync_copy(self_v, out_hbm.at[pl.ds(row0, GROUP)])
        pltpu.sync_copy(acc_v, out_hbm.at[pl.ds(HALF + row0, GROUP)])
        return carry

    lax.fori_loop(0, GROUPS_PER_W, group_body, 0)


def _sc_gather(features, idx_hbm):
    mesh = plsc.VectorSubcoreMesh(core_axis_name="c", subcore_axis_name="s")
    return pl.kernel(
        _sc_body,
        out_type=jax.ShapeDtypeStruct((2 * HALF, D), jnp.float32),
        mesh=mesh,
        scratch_types=[
            pltpu.VMEM((IDX_PER_GROUP,), jnp.int32),
            pltpu.VMEM((GROUP, D), jnp.float32),
            pltpu.VMEM((GROUP, D), jnp.float32),
            pltpu.SemaphoreType.DMA,
        ],
    )(features, idx_hbm)


def _matmul_body(s_ref, n_ref, w_ref, o_ref):
    ps = lax.dot_general(
        s_ref[0], w_ref[0],
        dimension_numbers=(((1,), (0,)), ((), ())),
        preferred_element_type=jnp.float32,
    )
    pn = lax.dot_general(
        n_ref[0], w_ref[1],
        dimension_numbers=(((1,), (0,)), ((), ())),
        preferred_element_type=jnp.float32,
    )
    o_ref[...] = jnp.maximum(ps + pn, 0.0)


def _matmul_body2(s_ref, n_ref, w_ref, prev_ref, o_ref):
    del prev_ref
    _matmul_body(s_ref, n_ref, w_ref, o_ref)


def _fused_matmul_h0(gathered, w_stack):
    nblk = HALF // BM
    g3 = gathered.reshape(2, HALF, D)
    return pl.pallas_call(
        _matmul_body,
        grid=(nblk,),
        in_specs=[
            pl.BlockSpec((1, BM, D), lambda i: (0, i, 0)),
            pl.BlockSpec((1, BM, D), lambda i: (1, i, 0)),
            pl.BlockSpec((2, D, D), lambda i: (0, 0, 0)),
        ],
        out_specs=pl.BlockSpec((BM, D), lambda i: (i, 0)),
        out_shape=jax.ShapeDtypeStruct((N_NODES, D), jnp.float32),
    )(g3, g3, w_stack)


def _fused_matmul_h1(gathered, w_stack, prev):
    nblk = HALF // BM
    base = HALF // BM
    g3 = gathered.reshape(2, HALF, D)
    return pl.pallas_call(
        _matmul_body2,
        grid=(nblk,),
        in_specs=[
            pl.BlockSpec((1, BM, D), lambda i: (0, i, 0)),
            pl.BlockSpec((1, BM, D), lambda i: (1, i, 0)),
            pl.BlockSpec((2, D, D), lambda i: (0, 0, 0)),
            pl.BlockSpec(memory_space=pl.ANY),
        ],
        out_specs=pl.BlockSpec((BM, D), lambda i: (i + base, 0)),
        out_shape=jax.ShapeDtypeStruct((N_NODES, D), jnp.float32),
        input_output_aliases={3: 0},
    )(g3, g3, w_stack, prev)


def kernel(nodes, neigh_idx, features, detaching_weight):
    w_top = detaching_weight[:D]
    w_bot = detaching_weight[D:] * (1.0 / FILTER)
    w_stack = jnp.stack([w_top, w_bot])

    nodes32 = nodes.astype(jnp.int32)
    idx11 = jnp.concatenate(
        [nodes32[:, None], neigh_idx.astype(jnp.int32)], axis=1
    )
    pad_n = B_PAD - N_NODES
    pad_idx = (jnp.arange(pad_n * IDX_PER_ROW, dtype=jnp.int32) * 283 % N_NODES)
    idx_pad = jnp.concatenate(
        [idx11, pad_idx.reshape(pad_n, IDX_PER_ROW)], axis=0
    )

    def half_idx(h):
        rows = lax.slice_in_dim(idx_pad, h * HALF, (h + 1) * HALF, axis=0)
        return jnp.swapaxes(
            rows.reshape(NW * GROUPS_PER_W, GROUP, IDX_PER_ROW), 1, 2
        ).reshape(-1)

    idx0 = half_idx(0)
    g0 = _sc_gather(features, idx0)
    idx1 = half_idx(1)
    g1 = _sc_gather(features, idx1)
    o0 = _fused_matmul_h0(g0, w_stack)
    return _fused_matmul_h1(g1, w_stack, o0)

# --- scband reference (transcript-rebuilt; emitter-appended) ---
"""Pipeline reference for scband-stc-encoder-89919435309241 (READ-ONLY COPY).

The authoritative reference and input builder live on the scoring server;
editing this copy changes nothing except your own understanding.
"""

import jax, jax.numpy as jnp
import numpy as np

N_NODES = 50000
D_FEAT = 128
HIDDEN = 128
FILTER = 10

def setup_inputs(seed: int = 0) -> dict:
    key = jax.random.key(seed)
    k1, k2, k3, k4 = jax.random.split(key, 4)
    nodes = jax.random.randint(k1, (N_NODES,), 0, N_NODES, dtype=jnp.int64 if jax.config.jax_enable_x64 else jnp.int32)
    neigh_idx = jax.random.randint(k2, (N_NODES, FILTER), 0, N_NODES, dtype=jnp.int64 if jax.config.jax_enable_x64 else jnp.int32)
    features = jax.random.normal(k3, (N_NODES, D_FEAT), dtype=jnp.float32) * 0.02
    # xavier_uniform for detaching_weight [(d_feat + 1*hidden), hidden]
    fan_in, fan_out = D_FEAT + HIDDEN, HIDDEN
    limit = float(np.sqrt(6.0 / (fan_in + fan_out)))
    detaching_weight = jax.random.uniform(k4, (fan_in, fan_out), dtype=jnp.float32, minval=-limit, maxval=limit)
    return {"nodes": nodes, "neigh_idx": neigh_idx, "features": features, "detaching_weight": detaching_weight}

def reference(nodes, neigh_idx, features, detaching_weight):
    # self features: embedding lookup for batch nodes
    self_feats = jnp.take(features, nodes, axis=0)                  # [B, d_feat]
    # STC_layer aggregation over sampled neighbors (mean over filtersize sampled neighbors)
    neigh_feats_all = jnp.take(features, neigh_idx.reshape(-1), axis=0)  # [B*F, d_feat]
    neigh_feats_all = neigh_feats_all.reshape(neigh_idx.shape[0], FILTER, D_FEAT)
    neigh_feats = jnp.mean(neigh_feats_all, axis=1)                 # [B, hidden] (hidden == d_feat here)
    # concat over the single adjacency list
    combined = jnp.concatenate([self_feats, neigh_feats], axis=1)   # [B, d_feat + hidden]
    out = jax.nn.relu(combined @ detaching_weight)                  # [B, hidden]
    # dropout_flag is False -> no dropout
    return out

if __name__ == "__main__":
    import jax
    _d = setup_inputs()
    print(jax.jit(kernel)(*tuple(_d.values())))

</pallas_src>

<mosaic_0001>
#map = affine_map<(d0, d1) -> (0, 0)>
#map1 = affine_map<(d0, d1) -> (0)>
module attributes {stable_mosaic.version = 14 : i64} {
  func.func @_sc_body(%arg0: i32, %arg1: i32, %arg2: memref<50000x128xf32, #tpu.memory_space<hbm>>, %arg3: memref<275968xi32, #tpu.memory_space<hbm>>, %arg4: memref<50176x128xf32, #tpu.memory_space<hbm>>, %arg5: memref<1232xi32, #tpu.memory_space<vmem>>, %arg6: memref<112x128xf32, #tpu.memory_space<vmem>>, %arg7: memref<112x128xf32, #tpu.memory_space<vmem>>, %arg8: memref<!tpu.dma_semaphore, #tpu.memory_space<semaphore_mem>>) attributes {dimension_semantics = [#tpu.dimension_semantics<core_parallel>, #tpu.dimension_semantics<subcore_parallel>], iteration_bounds = array<i64: 2, 16>, scalar_prefetch = 0 : i64, scratch_operands = 4 : i64, tpu.core_type = #tpu.core_type<sc_vector_subcore>, window_params = [{transform_indices = #map}, {transform_indices = #map1}, {transform_indices = #map}]} {
    %mul3A = arith.constant 2 : i32
    %mul3A_0 = arith.muli %arg1, %mul3A : i32
    %add3A = arith.addi %mul3A_0, %arg0 : i32
    %broadcast_in_dim3A = arith.constant 0.000000e+00 : f32
    %broadcast_in_dim3A_1 = vector.broadcast %broadcast_in_dim3A : f32 to vector<16xf32>
    %scan3A = arith.constant 0 : i32
    %scan3A_2 = arith.constant 0 : i32
    %scan3A_3 = arith.constant 7 : i32
    %scan3A_4 = arith.addi %scan3A_2, %scan3A_3 : i32
    %scan3A_5 = arith.constant 1 : i32
    scf.for %scan3A_7 = %scan3A_2 to %scan3A_4 step %scan3A_5  : i32 {
      %mul3A_8 = arith.constant 7 : i32
      %mul3A_9 = arith.muli %add3A, %mul3A_8 : i32
      %add3A_10 = arith.addi %mul3A_9, %scan3A_7 : i32
      %mul3A_11 = arith.constant 1232 : i32
      %mul3A_12 = arith.muli %add3A_10, %mul3A_11 : i32
      %dma_start3A = tpu.memref_slice %arg3[%mul3A_12] : memref<275968xi32, #tpu.memory_space<hbm>> -> memref<1232xi32, #tpu.memory_space<hbm>>
      %dma_start3A_13 = tpu.memref_slice %arg3[%mul3A_12] : memref<275968xi32, #tpu.memory_space<hbm>> -> memref<1232xi32, #tpu.memory_space<hbm>>
      tpu.enqueue_dma source(%dma_start3A_13 : memref<1232xi32, #tpu.memory_space<hbm>>) target(%arg5 : memref<1232xi32, #tpu.memory_space<vmem>>) target_semaphore(%arg8 : memref<!tpu.dma_semaphore, #tpu.memory_space<semaphore_mem>>)
      %scan3A_14 = arith.constant 0 : i32
      %scan3A_15 = arith.constant 0 : i32
      %scan3A_16 = arith.constant 112 : i32
      %scan3A_17 = arith.addi %scan3A_15, %scan3A_16 : i32
      %scan3A_18 = arith.constant 1 : i32
      scf.for %scan3A_138 = %scan3A_15 to %scan3A_17 step %scan3A_18  : i32 {
        %swap3A = arith.index_cast %scan3A_138 : i32 to index
        %swap3A_139 = arith.constant 0 : index
        %swap3A_140 = tpu.vector_load %arg7[%swap3A, %swap3A_139] {strides = array<i32>} : memref<112x128xf32, #tpu.memory_space<vmem>>, vector<1x16xf32>,
        %swap3A_141 = vector.shape_cast %swap3A_140 : vector<1x16xf32> to vector<16xf32>
        %swap3A_142 = vector.shape_cast %broadcast_in_dim3A_1 : vector<16xf32> to vector<1x16xf32>
        tpu.vector_store %arg7[%swap3A, %swap3A_139], %swap3A_142 {strides = array<i32>} : memref<112x128xf32, #tpu.memory_space<vmem>>, vector<1x16xf32>,
        %swap3A_143 = arith.index_cast %scan3A_138 : i32 to index
        %swap3A_144 = arith.constant 16 : index
        %swap3A_145 = tpu.vector_load %arg7[%swap3A_143, %swap3A_144] {strides = array<i32>} : memref<112x128xf32, #tpu.memory_space<vmem>>, vector<1x16xf32>,
        %swap3A_146 = vector.shape_cast %swap3A_145 : vector<1x16xf32> to vector<16xf32>
        %swap3A_147 = vector.shape_cast %broadcast_in_dim3A_1 : vector<16xf32> to vector<1x16xf32>
        tpu.vector_store %arg7[%swap3A_143, %swap3A_144], %swap3A_147 {strides = array<i32>} : memref<112x128xf32, #tpu.memory_space<vmem>>, vector<1x16xf32>,
        %swap3A_148 = arith.index_cast %scan3A_138 : i32 to index
        %swap3A_149 = arith.constant 32 : index
        %swap3A_150 = tpu.vector_load %arg7[%swap3A_148, %swap3A_149] {strides = array<i32>} : memref<112x128xf32, #tpu.memory_space<vmem>>, vector<1x16xf32>,
        %swap3A_151 = vector.shape_cast %swap3A_150 : vector<1x16xf32> to vector<16xf32>
        %swap3A_152 = vector.shape_cast %broadcast_in_dim3A_1 : vector<16xf32> to vector<1x16xf32>
        tpu.vector_store %arg7[%swap3A_148, %swap3A_149], %swap3A_152 {strides = array<i32>} : memref<112x128xf32, #tpu.memory_space<vmem>>, vector<1x16xf32>,
        %swap3A_153 = arith.index_cast %scan3A_138 : i32 to index
        %swap3A_154 = arith.constant 48 : index
        %swap3A_155 = tpu.vector_load %arg7[%swap3A_153, %swap3A_154] {strides = array<i32>} : memref<112x128xf32, #tpu.memory_space<vmem>>, vector<1x16xf32>,
        %swap3A_156 = vector.shape_cast %swap3A_155 : vector<1x16xf32> to vector<16xf32>
        %swap3A_157 = vector.shape_cast %broadcast_in_dim3A_1 : vector<16xf32> to vector<1x16xf32>
        tpu.vector_store %arg7[%swap3A_153, %swap3A_154], %swap3A_157 {strides = array<i32>} : memref<112x128xf32, #tpu.memory_space<vmem>>, vector<1x16xf32>,
        %swap3A_158 = arith.index_cast %scan3A_138 : i32 to index
        %swap3A_159 = arith.constant 64 : index
        %swap3A_160 = tpu.vector_load %arg7[%swap3A_158, %swap3A_159] {strides = array<i32>} : memref<112x128xf32, #tpu.memory_space<vmem>>, vector<1x16xf32>,
        %swap3A_161 = vector.shape_cast %swap3A_160 : vector<1x16xf32> to vector<16xf32>
        %swap3A_162 = vector.shape_cast %broadcast_in_dim3A_1 : vector<16xf32> to vector<1x16xf32>
        tpu.vector_store %arg7[%swap3A_158, %swap3A_159], %swap3A_162 {strides = array<i32>} : memref<112x128xf32, #tpu.memory_space<vmem>>, vector<1x16xf32>,
        %swap3A_163 = arith.index_cast %scan3A_138 : i32 to index
        %swap3A_164 = arith.constant 80 : index
        %swap3A_165 = tpu.vector_load %arg7[%swap3A_163, %swap3A_164] {strides = array<i32>} : memref<112x128xf32, #tpu.memory_space<vmem>>, vector<1x16xf32>,
        %swap3A_166 = vector.shape_cast %swap3A_165 : vector<1x16xf32> to vector<16xf32>
        %swap3A_167 = vector.shape_cast %broadcast_in_dim3A_1 : vector<16xf32> to vector<1x16xf32>
        tpu.vector_store %arg7[%swap3A_163, %swap3A_164], %swap3A_167 {strides = array<i32>} : memref<112x128xf32, #tpu.memory_space<vmem>>, vector<1x16xf32>,
        %swap3A_168 = arith.index_cast %scan3A_138 : i32 to index
        %swap3A_169 = arith.constant 96 : index
        %swap3A_170 = tpu.vector_load %arg7[%swap3A_168, %swap3A_169] {strides = array<i32>} : memref<112x128xf32, #tpu.memory_space<vmem>>, vector<1x16xf32>,
        %swap3A_171 = vector.shape_cast %swap3A_170 : vector<1x16xf32> to vector<16xf32>
        %swap3A_172 = vector.shape_cast %broadcast_in_dim3A_1 : vector<16xf32> to vector<1x16xf32>
        tpu.vector_store %arg7[%swap3A_168, %swap3A_169], %swap3A_172 {strides = array<i32>} : memref<112x128xf32, #tpu.memory_space<vmem>>, vector<1x16xf32>,
        %swap3A_173 = arith.index_cast %scan3A_138 : i32 to index
        %swap3A_174 = arith.constant 112 : index
        %swap3A_175 = tpu.vector_load %arg7[%swap3A_173, %swap3A_174] {strides = array<i32>} : memref<112x128xf32, #tpu.memory_space<vmem>>, vector<1x16xf32>,
        %swap3A_176 = vector.shape_cast %swap3A_175 : vector<1x16xf32> to vector<16xf32>
        %swap3A_177 = vector.shape_cast %broadcast_in_dim3A_1 : vector<16xf32> to vector<1x16xf32>
        tpu.vector_store %arg7[%swap3A_173, %swap3A_174], %swap3A_177 {strides = array<i32>} : memref<112x128xf32, #tpu.memory_space<vmem>>, vector<1x16xf32>,
      }
      %scan3A_19 = arith.constant 112 : i32
      %dma_wait3A = tpu.memref_slice %arg3[%mul3A_12] : memref<275968xi32, #tpu.memory_space<hbm>> -> memref<1232xi32, #tpu.memory_space<hbm>>
      %dma_wait3A_20 = tpu.memref_slice %arg3[%mul3A_12] : memref<275968xi32, #tpu.memory_space<hbm>> -> memref<1232xi32, #tpu.memory_space<hbm>>
      tpu.wait_dma2 semaphore(%arg8 : memref<!tpu.dma_semaphore, #tpu.memory_space<semaphore_mem>>) src(%dma_wait3A_20 : memref<1232xi32, #tpu.memory_space<hbm>>) dst(%arg5 : memref<1232xi32, #tpu.memory_space<vmem>>)
      %dma_start3A_21 = arith.constant 0 : i32
      %dma_start3A_22 = tpu.memref_slice %arg5[%dma_start3A_21] : memref<1232xi32, #tpu.memory_space<vmem>> -> memref<112xi32, #tpu.memory_space<vmem>>
      %dma_start3A_23 = arith.constant 0 : i32
      %dma_start3A_24 = arith.constant 0 : i32
      %dma_start3A_25 = tpu.memref_slice %arg2[%dma_start3A_23, %dma_start3A_24] : memref<50000x128xf32, #tpu.memory_space<hbm>> -> memref<50000x128xf32, #tpu.memory_space<hbm>>
      tpu.enqueue_indirect_dma source(%dma_start3A_25 : memref<50000x128xf32, #tpu.memory_space<hbm>>) target(%arg6 : memref<112x128xf32, #tpu.memory_space<vmem>>) offsets(%dma_start3A_22 : memref<112xi32, #tpu.memory_space<vmem>>) semaphore(%arg8 : memref<!tpu.dma_semaphore, #tpu.memory_space<semaphore_mem>>)
      %dma_start3A_26 = arith.constant 112 : i32
      %dma_start3A_27 = tpu.memref_slice %arg5[%dma_start3A_26] : memref<1232xi32, #tpu.memory_space<vmem>> -> memref<112xi32, #tpu.memory_space<vmem>>
      %dma_start3A_28 = arith.constant 0 : i32
      %dma_start3A_29 = arith.constant 0 : i32
      %dma_start3A_30 = tpu.memref_slice %arg2[%dma_start3A_28, %dma_start3A_29] : memref<50000x128xf32, #tpu.memory_space<hbm>> -> memref<50000x128xf32, #tpu.memory_space<hbm>>
      tpu.enqueue_indirect_dma source(%dma_start3A_30 : memref<50000x128xf32, #tpu.memory_space<hbm>>) target(%arg7 : memref<112x128xf32, #tpu.memory_space<vmem>>) offsets(%dma_start3A_27 : memref<112xi32, #tpu.memory_space<vmem>>) semaphore(%arg8 : memref<!tpu.dma_semaphore, #tpu.memory_space<semaphore_mem>>) {add = true}
      %dma_start3A_31 = arith.constant 224 : i32
      %dma_start3A_32 = tpu.memref_slice %arg5[%dma_start3A_31] : memref<1232xi32, #tpu.memory_space<vmem>> -> memref<112xi32, #tpu.memory_space<vmem>>
      %dma_start3A_33 = arith.constant 0 : i32
      %dma_start3A_34 = arith.constant 0 : i32
      %dma_start3A_35 = tpu.memref_slice %arg2[%dma_start3A_33, %dma_start3A_34] : memref<50000x128xf32, #tpu.memory_space<hbm>> -> memref<50000x128xf32, #tpu.memory_space<hbm>>
      tpu.enqueue_indirect_dma source(%dma_start3A_35 : memref<50000x128xf32, #tpu.memory_space<hbm>>) target(%arg7 : memref<112x128xf32, #tpu.memory_space<vmem>>) offsets(%dma_start3A_32 : memref<112xi32, #tpu.memory_space<vmem>>) semaphore(%arg8 : memref<!tpu.dma_semaphore, #tpu.memory_space<semaphore_mem>>) {add = true}
      %dma_start3A_36 = arith.constant 336 : i32
      %dma_start3A_37 = tpu.memref_slice %arg5[%dma_start3A_36] : memref<1232xi32, #tpu.memory_space<vmem>> -> memref<112xi32, #tpu.memory_space<vmem>>
      %dma_start3A_38 = arith.constant 0 : i32
      %dma_start3A_39 = arith.constant 0 : i32
      %dma_start3A_40 = tpu.memref_slice %arg2[%dma_start3A_38, %dma_start3A_39] : memref<50000x128xf32, #tpu.memory_space<hbm>> -> memref<50000x128xf32, #tpu.memory_space<hbm>>
      tpu.enqueue_indirect_dma source(%dma_start3A_40 : memref<50000x128xf32, #tpu.memory_space<hbm>>) target(%arg7 : memref<112x128xf32, #tpu.memory_space<vmem>>) offsets(%dma_start3A_37 : memref<112xi32, #tpu.memory_space<vmem>>) semaphore(%arg8 : memref<!tpu.dma_semaphore, #tpu.memory_space<semaphore_mem>>) {add = true}
      %dma_start3A_41 = arith.constant 448 : i32
      %dma_start3A_42 = tpu.memref_slice %arg5[%dma_start3A_41] : memref<1232xi32, #tpu.memory_space<vmem>> -> memref<112xi32, #tpu.memory_space<vmem>>
      %dma_start3A_43 = arith.constant 0 : i32
      %dma_start3A_44 = arith.constant 0 : i32
      %dma_start3A_45 = tpu.memref_slice %arg2[%dma_start3A_43, %dma_start3A_44] : memref<50000x128xf32, #tpu.memory_space<hbm>> -> memref<50000x128xf32, #tpu.memory_space<hbm>>
      tpu.enqueue_indirect_dma source(%dma_start3A_45 : memref<50000x128xf32, #tpu.memory_space<hbm>>) target(%arg7 : memref<112x128xf32, #tpu.memory_space<vmem>>) offsets(%dma_start3A_42 : memref<112xi32, #tpu.memory_space<vmem>>) semaphore(%arg8 : memref<!tpu.dma_semaphore, #tpu.memory_space<semaphore_mem>>) {add = true}
      %dma_start3A_46 = arith.constant 560 : i32
      %dma_start3A_47 = tpu.memref_slice %arg5[%dma_start3A_46] : memref<1232xi32, #tpu.memory_space<vmem>> -> memref<112xi32, #tpu.memory_space<vmem>>
      %dma_start3A_48 = arith.constant 0 : i32
      %dma_start3A_49 = arith.constant 0 : i32
      %dma_start3A_50 = tpu.memref_slice %arg2[%dma_start3A_48, %dma_start3A_49] : memref<50000x128xf32, #tpu.memory_space<hbm>> -> memref<50000x128xf32, #tpu.memory_space<hbm>>
      tpu.enqueue_indirect_dma source(%dma_start3A_50 : memref<50000x128xf32, #tpu.memory_space<hbm>>) target(%arg7 : memref<112x128xf32, #tpu.memory_space<vmem>>) offsets(%dma_start3A_47 : memref<112xi32, #tpu.memory_space<vmem>>) semaphore(%arg8 : memref<!tpu.dma_semaphore, #tpu.memory_space<semaphore_mem>>) {add = true}
      %dma_start3A_51 = arith.constant 672 : i32
      %dma_start3A_52 = tpu.memref_slice %arg5[%dma_start3A_51] : memref<1232xi32, #tpu.memory_space<vmem>> -> memref<112xi32, #tpu.memory_space<vmem>>
      %dma_start3A_53 = arith.constant 0 : i32
      %dma_start3A_54 = arith.constant 0 : i32
      %dma_start3A_55 = tpu.memref_slice %arg2[%dma_start3A_53, %dma_start3A_54] : memref<50000x128xf32, #tpu.memory_space<hbm>> -> memref<50000x128xf32, #tpu.memory_space<hbm>>
      tpu.enqueue_indirect_dma source(%dma_start3A_55 : memref<50000x128xf32, #tpu.memory_space<hbm>>) target(%arg7 : memref<112x128xf32, #tpu.memory_space<vmem>>) offsets(%dma_start3A_52 : memref<112xi32, #tpu.memory_space<vmem>>) semaphore(%arg8 : memref<!tpu.dma_semaphore, #tpu.memory_space<semaphore_mem>>) {add = true}
      %dma_start3A_56 = arith.constant 784 : i32
      %dma_start3A_57 = tpu.memref_slice %arg5[%dma_start3A_56] : memref<1232xi32, #tpu.memory_space<vmem>> -> memref<112xi32, #tpu.memory_space<vmem>>
      %dma_start3A_58 = arith.constant 0 : i32
      %dma_start3A_59 = arith.constant 0 : i32
      %dma_start3A_60 = tpu.memref_slice %arg2[%dma_start3A_58, %dma_start3A_59] : memref<50000x128xf32, #tpu.memory_space<hbm>> -> memref<50000x128xf32, #tpu.memory_space<hbm>>
      tpu.enqueue_indirect_dma source(%dma_start3A_60 : memref<50000x128xf32, #tpu.memory_space<hbm>>) target(%arg7 : memref<112x128xf32, #tpu.memory_space<vmem>>) offsets(%dma_start3A_57 : memref<112xi32, #tpu.memory_space<vmem>>) semaphore(%arg8 : memref<!tpu.dma_semaphore, #tpu.memory_space<semaphore_mem>>) {add = true}
      %dma_start3A_61 = arith.constant 896 : i32
      %dma_start3A_62 = tpu.memref_slice %arg5[%dma_start3A_61] : memref<1232xi32, #tpu.memory_space<vmem>> -> memref<112xi32, #tpu.memory_space<vmem>>
      %dma_start3A_63 = arith.constant 0 : i32
      %dma_start3A_64 = arith.constant 0 : i32
      %dma_start3A_65 = tpu.memref_slice %arg2[%dma_start3A_63, %dma_start3A_64] : memref<50000x128xf32, #tpu.memory_space<hbm>> -> memref<50000x128xf32, #tpu.memory_space<hbm>>
      tpu.enqueue_indirect_dma source(%dma_start3A_65 : memref<50000x128xf32, #tpu.memory_space<hbm>>) target(%arg7 : memref<112x128xf32, #tpu.memory_space<vmem>>) offsets(%dma_start3A_62 : memref<112xi32, #tpu.memory_space<vmem>>) semaphore(%arg8 : memref<!tpu.dma_semaphore, #tpu.memory_space<semaphore_mem>>) {add = true}
      %dma_start3A_66 = arith.constant 1008 : i32
      %dma_start3A_67 = tpu.memref_slice %arg5[%dma_start3A_66] : memref<1232xi32, #tpu.memory_space<vmem>> -> memref<112xi32, #tpu.memory_space<vmem>>
      %dma_start3A_68 = arith.constant 0 : i32
      %dma_start3A_69 = arith.constant 0 : i32
      %dma_start3A_70 = tpu.memref_slice %arg2[%dma_start3A_68, %dma_start3A_69] : memref<50000x128xf32, #tpu.memory_space<hbm>> -> memref<50000x128xf32, #tpu.memory_space<hbm>>
      tpu.enqueue_indirect_dma source(%dma_start3A_70 : memref<50000x128xf32, #tpu.memory_space<hbm>>) target(%arg7 : memref<112x128xf32, #tpu.memory_space<vmem>>) offsets(%dma_start3A_67 : memref<112xi32, #tpu.memory_space<vmem>>) semaphore(%arg8 : memref<!tpu.dma_semaphore, #tpu.memory_space<semaphore_mem>>) {add = true}
      %dma_start3A_71 = arith.constant 1120 : i32
      %dma_start3A_72 = tpu.memref_slice %arg5[%dma_start3A_71] : memref<1232xi32, #tpu.memory_space<vmem>> -> memref<112xi32, #tpu.memory_space<vmem>>
      %dma_start3A_73 = arith.constant 0 : i32
      %dma_start3A_74 = arith.constant 0 : i32
      %dma_start3A_75 = tpu.memref_slice %arg2[%dma_start3A_73, %dma_start3A_74] : memref<50000x128xf32, #tpu.memory_space<hbm>> -> memref<50000x128xf32, #tpu.memory_space<hbm>>
      tpu.enqueue_indirect_dma source(%dma_start3A_75 : memref<50000x128xf32, #tpu.memory_space<hbm>>) target(%arg7 : memref<112x128xf32, #tpu.memory_space<vmem>>) offsets(%dma_start3A_72 : memref<112xi32, #tpu.memory_space<vmem>>) semaphore(%arg8 : memref<!tpu.dma_semaphore, #tpu.memory_space<semaphore_mem>>) {add = true}
      %dma_wait3A_76 = arith.constant 0 : i32
      %dma_wait3A_77 = tpu.memref_slice %arg5[%dma_wait3A_76] : memref<1232xi32, #tpu.memory_space<vmem>> -> memref<112xi32, #tpu.memory_space<vmem>>
      %dma_wait3A_78 = arith.constant 0 : i32
      %dma_wait3A_79 = arith.constant 0 : i32
      %dma_wait3A_80 = tpu.memref_slice %arg2[%dma_wait3A_78, %dma_wait3A_79] : memref<50000x128xf32, #tpu.memory_space<hbm>> -> memref<50000x128xf32, #tpu.memory_space<hbm>>
      tpu.wait_indirect_dma semaphore(%arg8 : memref<!tpu.dma_semaphore, #tpu.memory_space<semaphore_mem>>) src(%dma_wait3A_80 : memref<50000x128xf32, #tpu.memory_space<hbm>>) dst(%arg6 : memref<112x128xf32, #tpu.memory_space<vmem>>)
      %dma_wait3A_81 = arith.constant 112 : i32
      %dma_wait3A_82 = tpu.memref_slice %arg5[%dma_wait3A_81] : memref<1232xi32, #tpu.memory_space<vmem>> -> memref<112xi32, #tpu.memory_space<vmem>>
      %dma_wait3A_83 = arith.constant 0 : i32
      %dma_wait3A_84 = arith.constant 0 : i32
      %dma_wait3A_85 = tpu.memref_slice %arg2[%dma_wait3A_83, %dma_wait3A_84] : memref<50000x128xf32, #tpu.memory_space<hbm>> -> memref<50000x128xf32, #tpu.memory_space<hbm>>
      tpu.wait_indirect_dma semaphore(%arg8 : memref<!tpu.dma_semaphore, #tpu.memory_space<semaphore_mem>>) src(%dma_wait3A_85 : memref<50000x128xf32, #tpu.memory_space<hbm>>) dst(%arg7 : memref<112x128xf32, #tpu.memory_space<vmem>>)
      %dma_wait3A_86 = arith.constant 224 : i32
      %dma_wait3A_87 = tpu.memref_slice %arg5[%dma_wait3A_86] : memref<1232xi32, #tpu.memory_space<vmem>> -> memref<112xi32, #tpu.memory_space<vmem>>
      %dma_wait3A_88 = arith.constant 0 : i32
      %dma_wait3A_89 = arith.constant 0 : i32
      %dma_wait3A_90 = tpu.memref_slice %arg2[%dma_wait3A_88, %dma_wait3A_89] : memref<50000x128xf32, #tpu.memory_space<hbm>> -> memref<50000x128xf32, #tpu.memory_space<hbm>>
      tpu.wait_indirect_dma semaphore(%arg8 : memref<!tpu.dma_semaphore, #tpu.memory_space<semaphore_mem>>) src(%dma_wait3A_90 : memref<50000x128xf32, #tpu.memory_space<hbm>>) dst(%arg7 : memref<112x128xf32, #tpu.memory_space<vmem>>)
      %dma_wait3A_91 = arith.constant 336 : i32
      %dma_wait3A_92 = tpu.memref_slice %arg5[%dma_wait3A_91] : memref<1232xi32, #tpu.memory_space<vmem>> -> memref<112xi32, #tpu.memory_space<vmem>>
      %dma_wait3A_93 = arith.constant 0 : i32
      %dma_wait3A_94 = arith.constant 0 : i32
      %dma_wait3A_95 = tpu.memref_slice %arg2[%dma_wait3A_93, %dma_wait3A_94] : memref<50000x128xf32, #tpu.memory_space<hbm>> -> memref<50000x128xf32, #tpu.memory_space<hbm>>
      tpu.wait_indirect_dma semaphore(%arg8 : memref<!tpu.dma_semaphore, #tpu.memory_space<semaphore_mem>>) src(%dma_wait3A_95 : memref<50000x128xf32, #tpu.memory_space<hbm>>) dst(%arg7 : memref<112x128xf32, #tpu.memory_space<vmem>>)
      %dma_wait3A_96 = arith.constant 448 : i32
      %dma_wait3A_97 = tpu.memref_slice %arg5[%dma_wait3A_96] : memref<1232xi32, #tpu.memory_space<vmem>> -> memref<112xi32, #tpu.memory_space<vmem>>
      %dma_wait3A_98 = arith.constant 0 : i32
      %dma_wait3A_99 = arith.constant 0 : i32
      %dma_wait3A_100 = tpu.memref_slice %arg2[%dma_wait3A_98, %dma_wait3A_99] : memref<50000x128xf32, #tpu.memory_space<hbm>> -> memref<50000x128xf32, #tpu.memory_space<hbm>>
      tpu.wait_indirect_dma semaphore(%arg8 : memref<!tpu.dma_semaphore, #tpu.memory_space<semaphore_mem>>) src(%dma_wait3A_100 : memref<50000x128xf32, #tpu.memory_space<hbm>>) dst(%arg7 : memref<112x128xf32, #tpu.memory_space<vmem>>)
      %dma_wait3A_101 = arith.constant 560 : i32
      %dma_wait3A_102 = tpu.memref_slice %arg5[%dma_wait3A_101] : memref<1232xi32, #tpu.memory_space<vmem>> -> memref<112xi32, #tpu.memory_space<vmem>>
      %dma_wait3A_103 = arith.constant 0 : i32
      %dma_wait3A_104 = arith.constant 0 : i32
      %dma_wait3A_105 = tpu.memref_slice %arg2[%dma_wait3A_103, %dma_wait3A_104] : memref<50000x128xf32, #tpu.memory_space<hbm>> -> memref<50000x128xf32, #tpu.memory_space<hbm>>
      tpu.wait_indirect_dma semaphore(%arg8 : memref<!tpu.dma_semaphore, #tpu.memory_space<semaphore_mem>>) src(%dma_wait3A_105 : memref<50000x128xf32, #tpu.memory_space<hbm>>) dst(%arg7 : memref<112x128xf32, #tpu.memory_space<vmem>>)
      %dma_wait3A_106 = arith.constant 672 : i32
      %dma_wait3A_107 = tpu.memref_slice %arg5[%dma_wait3A_106] : memref<1232xi32, #tpu.memory_space<vmem>> -> memref<112xi32, #tpu.memory_space<vmem>>
      %dma_wait3A_108 = arith.constant 0 : i32
      %dma_wait3A_109 = arith.constant 0 : i32
      %dma_wait3A_110 = tpu.memref_slice %arg2[%dma_wait3A_108, %dma_wait3A_109] : memref<50000x128xf32, #tpu.memory_space<hbm>> -> memref<50000x128xf32, #tpu.memory_space<hbm>>
      tpu.wait_indirect_dma semaphore(%arg8 : memref<!tpu.dma_semaphore, #tpu.memory_space<semaphore_mem>>) src(%dma_wait3A_110 : memref<50000x128xf32, #tpu.memory_space<hbm>>) dst(%arg7 : memref<112x128xf32, #tpu.memory_space<vmem>>)
      %dma_wait3A_111 = arith.constant 784 : i32
      %dma_wait3A_112 = tpu.memref_slice %arg5[%dma_wait3A_111] : memref<1232xi32, #tpu.memory_space<vmem>> -> memref<112xi32, #tpu.memory_space<vmem>>
      %dma_wait3A_113 = arith.constant 0 : i32
      %dma_wait3A_114 = arith.constant 0 : i32
      %dma_wait3A_115 = tpu.memref_slice %arg2[%dma_wait3A_113, %dma_wait3A_114] : memref<50000x128xf32, #tpu.memory_space<hbm>> -> memref<50000x128xf32, #tpu.memory_space<hbm>>
      tpu.wait_indirect_dma semaphore(%arg8 : memref<!tpu.dma_semaphore, #tpu.memory_space<semaphore_mem>>) src(%dma_wait3A_115 : memref<50000x128xf32, #tpu.memory_space<hbm>>) dst(%arg7 : memref<112x128xf32, #tpu.memory_space<vmem>>)
      %dma_wait3A_116 = arith.constant 896 : i32
      %dma_wait3A_117 = tpu.memref_slice %arg5[%dma_wait3A_116] : memref<1232xi32, #tpu.memory_space<vmem>> -> memref<112xi32, #tpu.memory_space<vmem>>
      %dma_wait3A_118 = arith.constant 0 : i32
      %dma_wait3A_119 = arith.constant 0 : i32
      %dma_wait3A_120 = tpu.memref_slice %arg2[%dma_wait3A_118, %dma_wait3A_119] : memref<50000x128xf32, #tpu.memory_space<hbm>> -> memref<50000x128xf32, #tpu.memory_space<hbm>>
      tpu.wait_indirect_dma semaphore(%arg8 : memref<!tpu.dma_semaphore, #tpu.memory_space<semaphore_mem>>) src(%dma_wait3A_120 : memref<50000x128xf32, #tpu.memory_space<hbm>>) dst(%arg7 : memref<112x128xf32, #tpu.memory_space<vmem>>)
      %dma_wait3A_121 = arith.constant 1008 : i32
      %dma_wait3A_122 = tpu.memref_slice %arg5[%dma_wait3A_121] : memref<1232xi32, #tpu.memory_space<vmem>> -> memref<112xi32, #tpu.memory_space<vmem>>
      %dma_wait3A_123 = arith.constant 0 : i32
      %dma_wait3A_124 = arith.constant 0 : i32
      %dma_wait3A_125 = tpu.memref_slice %arg2[%dma_wait3A_123, %dma_wait3A_124] : memref<50000x128xf32, #tpu.memory_space<hbm>> -> memref<50000x128xf32, #tpu.memory_space<hbm>>
      tpu.wait_indirect_dma semaphore(%arg8 : memref<!tpu.dma_semaphore, #tpu.memory_space<semaphore_mem>>) src(%dma_wait3A_125 : memref<50000x128xf32, #tpu.memory_space<hbm>>) dst(%arg7 : memref<112x128xf32, #tpu.memory_space<vmem>>)
      %dma_wait3A_126 = arith.constant 1120 : i32
      %dma_wait3A_127 = tpu.memref_slice %arg5[%dma_wait3A_126] : memref<1232xi32, #tpu.memory_space<vmem>> -> memref<112xi32, #tpu.memory_space<vmem>>
      %dma_wait3A_128 = arith.constant 0 : i32
      %dma_wait3A_129 = arith.constant 0 : i32
      %dma_wait3A_130 = tpu.memref_slice %arg2[%dma_wait3A_128, %dma_wait3A_129] : memref<50000x128xf32, #tpu.memory_space<hbm>> -> memref<50000x128xf32, #tpu.memory_space<hbm>>
      tpu.wait_indirect_dma semaphore(%arg8 : memref<!tpu.dma_semaphore, #tpu.memory_space<semaphore_mem>>) src(%dma_wait3A_130 : memref<50000x128xf32, #tpu.memory_space<hbm>>) dst(%arg7 : memref<112x128xf32, #tpu.memory_space<vmem>>)
      %mul3A_131 = arith.constant 784 : i32
      %mul3A_132 = arith.muli %add3A, %mul3A_131 : i32
      %mul3A_133 = arith.constant 112 : i32
      %mul3A_134 = arith.muli %scan3A_7, %mul3A_133 : i32
      %add3A_135 = arith.addi %mul3A_132, %mul3A_134 : i32
      "tpu.region"() ({
        %run_scoped3A = tpu.sem_alloc : memref<!tpu.dma_semaphore, #tpu.memory_space<semaphore_mem>>
        %dma_start3A_138 = arith.constant 0 : i32
        %dma_start3A_139 = tpu.memref_slice %arg4[%add3A_135, %dma_start3A_138] : memref<50176x128xf32, #tpu.memory_space<hbm>> -> memref<112x128xf32, #tpu.memory_space<hbm>>
        %dma_start3A_140 = arith.constant 0 : i32
        %dma_start3A_141 = tpu.memref_slice %arg4[%add3A_135, %dma_start3A_140] : memref<50176x128xf32, #tpu.memory_space<hbm>> -> memref<112x128xf32, #tpu.memory_space<hbm>>
        tpu.enqueue_dma source(%arg6 : memref<112x128xf32, #tpu.memory_space<vmem>>) target(%dma_start3A_141 : memref<112x128xf32, #tpu.memory_space<hbm>>) target_semaphore(%run_scoped3A : memref<!tpu.dma_semaphore, #tpu.memory_space<semaphore_mem>>)
        %dma_wait3A_142 = arith.constant 0 : i32
        %dma_wait3A_143 = tpu.memref_slice %arg4[%add3A_135, %dma_wait3A_142] : memref<50176x128xf32, #tpu.memory_space<hbm>> -> memref<112x128xf32, #tpu.memory_space<hbm>>
        %dma_wait3A_144 = arith.constant 0 : i32
        %dma_wait3A_145 = tpu.memref_slice %arg4[%add3A_135, %dma_wait3A_144] : memref<50176x128xf32, #tpu.memory_space<hbm>> -> memref<112x128xf32, #tpu.memory_space<hbm>>
        tpu.wait_dma2 semaphore(%run_scoped3A : memref<!tpu.dma_semaphore, #tpu.memory_space<semaphore_mem>>) src(%arg6 : memref<112x128xf32, #tpu.memory_space<vmem>>) dst(%dma_wait3A_145 : memref<112x128xf32, #tpu.memory_space<hbm>>)
        tpu.yield
      }) : () -> ()
      %add3A_136 = arith.constant 25088 : i32
      %add3A_137 = arith.addi %add3A_136, %add3A_135 : i32
      "tpu.region"() ({
        %run_scoped3A = tpu.sem_alloc : memref<!tpu.dma_semaphore, #tpu.memory_space<semaphore_mem>>
        %dma_start3A_138 = arith.constant 0 : i32
        %dma_start3A_139 = tpu.memref_slice %arg4[%add3A_137, %dma_start3A_138] : memref<50176x128xf32, #tpu.memory_space<hbm>> -> memref<112x128xf32, #tpu.memory_space<hbm>>
        %dma_start3A_140 = arith.constant 0 : i32
        %dma_start3A_141 = tpu.memref_slice %arg4[%add3A_137, %dma_start3A_140] : memref<50176x128xf32, #tpu.memory_space<hbm>> -> memref<112x128xf32, #tpu.memory_space<hbm>>
        tpu.enqueue_dma source(%arg7 : memref<112x128xf32, #tpu.memory_space<vmem>>) target(%dma_start3A_141 : memref<112x128xf32, #tpu.memory_space<hbm>>) target_semaphore(%run_scoped3A : memref<!tpu.dma_semaphore, #tpu.memory_space<semaphore_mem>>)
        %dma_wait3A_142 = arith.constant 0 : i32
        %dma_wait3A_143 = tpu.memref_slice %arg4[%add3A_137, %dma_wait3A_142] : memref<50176x128xf32, #tpu.memory_space<hbm>> -> memref<112x128xf32, #tpu.memory_space<hbm>>
        %dma_wait3A_144 = arith.constant 0 : i32
        %dma_wait3A_145 = tpu.memref_slice %arg4[%add3A_137, %dma_wait3A_144] : memref<50176x128xf32, #tpu.memory_space<hbm>> -> memref<112x128xf32, #tpu.memory_space<hbm>>
        tpu.wait_dma2 semaphore(%run_scoped3A : memref<!tpu.dma_semaphore, #tpu.memory_space<semaphore_mem>>) src(%arg7 : memref<112x128xf32, #tpu.memory_space<vmem>>) dst(%dma_wait3A_145 : memref<112x128xf32, #tpu.memory_space<hbm>>)
        tpu.yield
      }) : () -> ()
    }
    %scan3A_6 = arith.constant 7 : i32
    return
  }
}

#map = affine_map<(d0, d1) -> (0, 0)>
#map1 = affine_map<(d0, d1) -> (0)>
module attributes {stable_mosaic.version = 14 : i64} {
  func.func @_sc_body(%arg0: i32, %arg1: i32, %arg2: memref<50000x128xf32, #tpu.memory_space<hbm>>, %arg3: memref<275968xi32, #tpu.memory_space<hbm>>, %arg4: memref<50176x128xf32, #tpu.memory_space<hbm>>, %arg5: memref<1232xi32, #tpu.memory_space<vmem>>, %arg6: memref<112x128xf32, #tpu.memory_space<vmem>>, %arg7: memref<112x128xf32, #tpu.memory_space<vmem>>, %arg8: memref<!tpu.dma_semaphore, #tpu.memory_space<semaphore_mem>>) attributes {dimension_semantics = [#tpu.dimension_semantics<core_parallel>, #tpu.dimension_semantics<subcore_parallel>], iteration_bounds = array<i64: 2, 16>, scalar_prefetch = 0 : i64, scratch_operands = 4 : i64, tpu.core_type = #tpu.core_type<sc_vector_subcore>, window_params = [{transform_indices = #map}, {transform_indices = #map1}, {transform_indices = #map}]} {
    %mul3A = arith.constant 2 : i32
    %mul3A_0 = arith.muli %arg1, %mul3A : i32
    %add3A = arith.addi %mul3A_0, %arg0 : i32
    %broadcast_in_dim3A = arith.constant 0.000000e+00 : f32
    %broadcast_in_dim3A_1 = vector.broadcast %broadcast_in_dim3A : f32 to vector<16xf32>
    %scan3A = arith.constant 0 : i32
    %scan3A_2 = arith.constant 0 : i32
    %scan3A_3 = arith.constant 7 : i32
    %scan3A_4 = arith.addi %scan3A_2, %scan3A_3 : i32
    %scan3A_5 = arith.constant 1 : i32
    scf.for %scan3A_7 = %scan3A_2 to %scan3A_4 step %scan3A_5  : i32 {
      %mul3A_8 = arith.constant 7 : i32
      %mul3A_9 = arith.muli %add3A, %mul3A_8 : i32
      %add3A_10 = arith.addi %mul3A_9, %scan3A_7 : i32
      %mul3A_11 = arith.constant 1232 : i32
      %mul3A_12 = arith.muli %add3A_10, %mul3A_11 : i32
      %dma_start3A = tpu.memref_slice %arg3[%mul3A_12] : memref<275968xi32, #tpu.memory_space<hbm>> -> memref<1232xi32, #tpu.memory_space<hbm>>
      %dma_start3A_13 = tpu.memref_slice %arg3[%mul3A_12] : memref<275968xi32, #tpu.memory_space<hbm>> -> memref<1232xi32, #tpu.memory_space<hbm>>
      tpu.enqueue_dma source(%dma_start3A_13 : memref<1232xi32, #tpu.memory_space<hbm>>) target(%arg5 : memref<1232xi32, #tpu.memory_space<vmem>>) target_semaphore(%arg8 : memref<!tpu.dma_semaphore, #tpu.memory_space<semaphore_mem>>)
      %scan3A_14 = arith.constant 0 : i32
      %scan3A_15 = arith.constant 0 : i32
      %scan3A_16 = arith.constant 112 : i32
      %scan3A_17 = arith.addi %scan3A_15, %scan3A_16 : i32
      %scan3A_18 = arith.constant 1 : i32
      scf.for %scan3A_138 = %scan3A_15 to %scan3A_17 step %scan3A_18  : i32 {
        %swap3A = arith.index_cast %scan3A_138 : i32 to index
        %swap3A_139 = arith.constant 0 : index
        %swap3A_140 = tpu.vector_load %arg7[%swap3A, %swap3A_139] {strides = array<i32>} : memref<112x128xf32, #tpu.memory_space<vmem>>, vector<1x16xf32>,
        %swap3A_141 = vector.shape_cast %swap3A_140 : vector<1x16xf32> to vector<16xf32>
        %swap3A_142 = vector.shape_cast %broadcast_in_dim3A_1 : vector<16xf32> to vector<1x16xf32>
        tpu.vector_store %arg7[%swap3A, %swap3A_139], %swap3A_142 {strides = array<i32>} : memref<112x128xf32, #tpu.memory_space<vmem>>, vector<1x16xf32>,
        %swap3A_143 = arith.index_cast %scan3A_138 : i32 to index
        %swap3A_144 = arith.constant 16 : index
        %swap3A_145 = tpu.vector_load %arg7[%swap3A_143, %swap3A_144] {strides = array<i32>} : memref<112x128xf32, #tpu.memory_space<vmem>>, vector<1x16xf32>,
        %swap3A_146 = vector.shape_cast %swap3A_145 : vector<1x16xf32> to vector<16xf32>
        %swap3A_147 = vector.shape_cast %broadcast_in_dim3A_1 : vector<16xf32> to vector<1x16xf32>
        tpu.vector_store %arg7[%swap3A_143, %swap3A_144], %swap3A_147 {strides = array<i32>} : memref<112x128xf32, #tpu.memory_space<vmem>>, vector<1x16xf32>,
        %swap3A_148 = arith.index_cast %scan3A_138 : i32 to index
        %swap3A_149 = arith.constant 32 : index
        %swap3A_150 = tpu.vector_load %arg7[%swap3A_148, %swap3A_149] {strides = array<i32>} : memref<112x128xf32, #tpu.memory_space<vmem>>, vector<1x16xf32>,
        %swap3A_151 = vector.shape_cast %swap3A_150 : vector<1x16xf32> to vector<16xf32>
        %swap3A_152 = vector.shape_cast %broadcast_in_dim3A_1 : vector<16xf32> to vector<1x16xf32>
        tpu.vector_store %arg7[%swap3A_148, %swap3A_149], %swap3A_152 {strides = array<i32>} : memref<112x128xf32, #tpu.memory_space<vmem>>, vector<1x16xf32>,
        %swap3A_153 = arith.index_cast %scan3A_138 : i32 to index
        %swap3A_154 = arith.constant 48 : index
        %swap3A_155 = tpu.vector_load %arg7[%swap3A_153, %swap3A_154] {strides = array<i32>} : memref<112x128xf32, #tpu.memory_space<vmem>>, vector<1x16xf32>,
        %swap3A_156 = vector.shape_cast %swap3A_155 : vector<1x16xf32> to vector<16xf32>
        %swap3A_157 = vector.shape_cast %broadcast_in_dim3A_1 : vector<16xf32> to vector<1x16xf32>
        tpu.vector_store %arg7[%swap3A_153, %swap3A_154], %swap3A_157 {strides = array<i32>} : memref<112x128xf32, #tpu.memory_space<vmem>>, vector<1x16xf32>,
        %swap3A_158 = arith.index_cast %scan3A_138 : i32 to index
        %swap3A_159 = arith.constant 64 : index
        %swap3A_160 = tpu.vector_load %arg7[%swap3A_158, %swap3A_159] {strides = array<i32>} : memref<112x128xf32, #tpu.memory_space<vmem>>, vector<1x16xf32>,
        %swap3A_161 = vector.shape_cast %swap3A_160 : vector<1x16xf32> to vector<16xf32>
        %swap3A_162 = vector.shape_cast %broadcast_in_dim3A_1 : vector<16xf32> to vector<1x16xf32>
        tpu.vector_store %arg7[%swap3A_158, %swap3A_159], %swap3A_162 {strides = array<i32>} : memref<112x128xf32, #tpu.memory_space<vmem>>, vector<1x16xf32>,
        %swap3A_163 = arith.index_cast %scan3A_138 : i32 to index
        %swap3A_164 = arith.constant 80 : index
        %swap3A_165 = tpu.vector_load %arg7[%swap3A_163, %swap3A_164] {strides = array<i32>} : memref<112x128xf32, #tpu.memory_space<vmem>>, vector<1x16xf32>,
        %swap3A_166 = vector.shape_cast %swap3A_165 : vector<1x16xf32> to vector<16xf32>
        %swap3A_167 = vector.shape_cast %broadcast_in_dim3A_1 : vector<16xf32> to vector<1x16xf32>
        tpu.vector_store %arg7[%swap3A_163, %swap3A_164], %swap3A_167 {strides = array<i32>} : memref<112x128xf32, #tpu.memory_space<vmem>>, vector<1x16xf32>,
        %swap3A_168 = arith.index_cast %scan3A_138 : i32 to index
        %swap3A_169 = arith.constant 96 : index
        %swap3A_170 = tpu.vector_load %arg7[%swap3A_168, %swap3A_169] {strides = array<i32>} : memref<112x128xf32, #tpu.memory_space<vmem>>, vector<1x16xf32>,
        %swap3A_171 = vector.shape_cast %swap3A_170 : vector<1x16xf32> to vector<16xf32>
        %swap3A_172 = vector.shape_cast %broadcast_in_dim3A_1 : vector<16xf32> to vector<1x16xf32>
        tpu.vector_store %arg7[%swap3A_168, %swap3A_169], %swap3A_172 {strides = array<i32>} : memref<112x128xf32, #tpu.memory_space<vmem>>, vector<1x16xf32>,
        %swap3A_173 = arith.index_cast %scan3A_138 : i32 to index
        %swap3A_174 = arith.constant 112 : index
        %swap3A_175 = tpu.vector_load %arg7[%swap3A_173, %swap3A_174] {strides = array<i32>} : memref<112x128xf32, #tpu.memory_space<vmem>>, vector<1x16xf32>,
        %swap3A_176 = vector.shape_cast %swap3A_175 : vector<1x16xf32> to vector<16xf32>
        %swap3A_177 = vector.shape_cast %broadcast_in_dim3A_1 : vector<16xf32> to vector<1x16xf32>
        tpu.vector_store %arg7[%swap3A_173, %swap3A_174], %swap3A_177 {strides = array<i32>} : memref<112x128xf32, #tpu.memory_space<vmem>>, vector<1x16xf32>,
      }
      %scan3A_19 = arith.constant 112 : i32
      %dma_wait3A = tpu.memref_slice %arg3[%mul3A_12] : memref<275968xi32, #tpu.memory_space<hbm>> -> memref<1232xi32, #tpu.memory_space<hbm>>
      %dma_wait3A_20 = tpu.memref_slice %arg3[%mul3A_12] : memref<275968xi32, #tpu.memory_space<hbm>> -> memref<1232xi32, #tpu.memory_space<hbm>>
      tpu.wait_dma2 semaphore(%arg8 : memref<!tpu.dma_semaphore, #tpu.memory_space<semaphore_mem>>) src(%dma_wait3A_20 : memref<1232xi32, #tpu.memory_space<hbm>>) dst(%arg5 : memref<1232xi32, #tpu.memory_space<vmem>>)
      %dma_start3A_21 = arith.constant 0 : i32
      %dma_start3A_22 = tpu.memref_slice %arg5[%dma_start3A_21] : memref<1232xi32, #tpu.memory_space<vmem>> -> memref<112xi32, #tpu.memory_space<vmem>>
      %dma_start3A_23 = arith.constant 0 : i32
      %dma_start3A_24 = arith.constant 0 : i32
      %dma_start3A_25 = tpu.memref_slice %arg2[%dma_start3A_23, %dma_start3A_24] : memref<50000x128xf32, #tpu.memory_space<hbm>> -> memref<50000x128xf32, #tpu.memory_space<hbm>>
      tpu.enqueue_indirect_dma source(%dma_start3A_25 : memref<50000x128xf32, #tpu.memory_space<hbm>>) target(%arg6 : memref<112x128xf32, #tpu.memory_space<vmem>>) offsets(%dma_start3A_22 : memref<112xi32, #tpu.memory_space<vmem>>) semaphore(%arg8 : memref<!tpu.dma_semaphore, #tpu.memory_space<semaphore_mem>>)
      %dma_start3A_26 = arith.constant 112 : i32
      %dma_start3A_27 = tpu.memref_slice %arg5[%dma_start3A_26] : memref<1232xi32, #tpu.memory_space<vmem>> -> memref<112xi32, #tpu.memory_space<vmem>>
      %dma_start3A_28 = arith.constant 0 : i32
      %dma_start3A_29 = arith.constant 0 : i32
      %dma_start3A_30 = tpu.memref_slice %arg2[%dma_start3A_28, %dma_start3A_29] : memref<50000x128xf32, #tpu.memory_space<hbm>> -> memref<50000x128xf32, #tpu.memory_space<hbm>>
      tpu.enqueue_indirect_dma source(%dma_start3A_30 : memref<50000x128xf32, #tpu.memory_space<hbm>>) target(%arg7 : memref<112x128xf32, #tpu.memory_space<vmem>>) offsets(%dma_start3A_27 : memref<112xi32, #tpu.memory_space<vmem>>) semaphore(%arg8 : memref<!tpu.dma_semaphore, #tpu.memory_space<semaphore_mem>>) {add = true}
      %dma_start3A_31 = arith.constant 224 : i32
      %dma_start3A_32 = tpu.memref_slice %arg5[%dma_start3A_31] : memref<1232xi32, #tpu.memory_space<vmem>> -> memref<112xi32, #tpu.memory_space<vmem>>
      %dma_start3A_33 = arith.constant 0 : i32
      %dma_start3A_34 = arith.constant 0 : i32
      %dma_start3A_35 = tpu.memref_slice %arg2[%dma_start3A_33, %dma_start3A_34] : memref<50000x128xf32, #tpu.memory_space<hbm>> -> memref<50000x128xf32, #tpu.memory_space<hbm>>
      tpu.enqueue_indirect_dma source(%dma_start3A_35 : memref<50000x128xf32, #tpu.memory_space<hbm>>) target(%arg7 : memref<112x128xf32, #tpu.memory_space<vmem>>) offsets(%dma_start3A_32 : memref<112xi32, #tpu.memory_space<vmem>>) semaphore(%arg8 : memref<!tpu.dma_semaphore, #tpu.memory_space<semaphore_mem>>) {add = true}
      %dma_start3A_36 = arith.constant 336 : i32
      %dma_start3A_37 = tpu.memref_slice %arg5[%dma_start3A_36] : memref<1232xi32, #tpu.memory_space<vmem>> -> memref<112xi32, #tpu.memory_space<vmem>>
      %dma_start3A_38 = arith.constant 0 : i32
      %dma_start3A_39 = arith.constant 0 : i32
      %dma_start3A_40 = tpu.memref_slice %arg2[%dma_start3A_38, %dma_start3A_39] : memref<50000x128xf32, #tpu.memory_space<hbm>> -> memref<50000x128xf32, #tpu.memory_space<hbm>>
      tpu.enqueue_indirect_dma source(%dma_start3A_40 : memref<50000x128xf32, #tpu.memory_space<hbm>>) target(%arg7 : memref<112x128xf32, #tpu.memory_space<vmem>>) offsets(%dma_start3A_37 : memref<112xi32, #tpu.memory_space<vmem>>) semaphore(%arg8 : memref<!tpu.dma_semaphore, #tpu.memory_space<semaphore_mem>>) {add = true}
      %dma_start3A_41 = arith.constant 448 : i32
      %dma_start3A_42 = tpu.memref_slice %arg5[%dma_start3A_41] : memref<1232xi32, #tpu.memory_space<vmem>> -> memref<112xi32, #tpu.memory_space<vmem>>
      %dma_start3A_43 = arith.constant 0 : i32
      %dma_start3A_44 = arith.constant 0 : i32
      %dma_start3A_45 = tpu.memref_slice %arg2[%dma_start3A_43, %dma_start3A_44] : memref<50000x128xf32, #tpu.memory_space<hbm>> -> memref<50000x128xf32, #tpu.memory_space<hbm>>
      tpu.enqueue_indirect_dma source(%dma_start3A_45 : memref<50000x128xf32, #tpu.memory_space<hbm>>) target(%arg7 : memref<112x128xf32, #tpu.memory_space<vmem>>) offsets(%dma_start3A_42 : memref<112xi32, #tpu.memory_space<vmem>>) semaphore(%arg8 : memref<!tpu.dma_semaphore, #tpu.memory_space<semaphore_mem>>) {add = true}
      %dma_start3A_46 = arith.constant 560 : i32
      %dma_start3A_47 = tpu.memref_slice %arg5[%dma_start3A_46] : memref<1232xi32, #tpu.memory_space<vmem>> -> memref<112xi32, #tpu.memory_space<vmem>>
      %dma_start3A_48 = arith.constant 0 : i32
      %dma_start3A_49 = arith.constant 0 : i32
      %dma_start3A_50 = tpu.memref_slice %arg2[%dma_start3A_48, %dma_start3A_49] : memref<50000x128xf32, #tpu.memory_space<hbm>> -> memref<50000x128xf32, #tpu.memory_space<hbm>>
      tpu.enqueue_indirect_dma source(%dma_start3A_50 : memref<50000x128xf32, #tpu.memory_space<hbm>>) target(%arg7 : memref<112x128xf32, #tpu.memory_space<vmem>>) offsets(%dma_start3A_47 : memref<112xi32, #tpu.memory_space<vmem>>) semaphore(%arg8 : memref<!tpu.dma_semaphore, #tpu.memory_space<semaphore_mem>>) {add = true}
      %dma_start3A_51 = arith.constant 672 : i32
      %dma_start3A_52 = tpu.memref_slice %arg5[%dma_start3A_51] : memref<1232xi32, #tpu.memory_space<vmem>> -> memref<112xi32, #tpu.memory_space<vmem>>
      %dma_start3A_53 = arith.constant 0 : i32
      %dma_start3A_54 = arith.constant 0 : i32
      %dma_start3A_55 = tpu.memref_slice %arg2[%dma_start3A_53, %dma_start3A_54] : memref<50000x128xf32, #tpu.memory_space<hbm>> -> memref<50000x128xf32, #tpu.memory_space<hbm>>
      tpu.enqueue_indirect_dma source(%dma_start3A_55 : memref<50000x128xf32, #tpu.memory_space<hbm>>) target(%arg7 : memref<112x128xf32, #tpu.memory_space<vmem>>) offsets(%dma_start3A_52 : memref<112xi32, #tpu.memory_space<vmem>>) semaphore(%arg8 : memref<!tpu.dma_semaphore, #tpu.memory_space<semaphore_mem>>) {add = true}
      %dma_start3A_56 = arith.constant 784 : i32
      %dma_start3A_57 = tpu.memref_slice %arg5[%dma_start3A_56] : memref<1232xi32, #tpu.memory_space<vmem>> -> memref<112xi32, #tpu.memory_space<vmem>>
      %dma_start3A_58 = arith.constant 0 : i32
      %dma_start3A_59 = arith.constant 0 : i32
      %dma_start3A_60 = tpu.memref_slice %arg2[%dma_start3A_58, %dma_start3A_59] : memref<50000x128xf32, #tpu.memory_space<hbm>> -> memref<50000x128xf32, #tpu.memory_space<hbm>>
      tpu.enqueue_indirect_dma source(%dma_start3A_60 : memref<50000x128xf32, #tpu.memory_space<hbm>>) target(%arg7 : memref<112x128xf32, #tpu.memory_space<vmem>>) offsets(%dma_start3A_57 : memref<112xi32, #tpu.memory_space<vmem>>) semaphore(%arg8 : memref<!tpu.dma_semaphore, #tpu.memory_space<semaphore_mem>>) {add = true}
      %dma_start3A_61 = arith.constant 896 : i32
      %dma_start3A_62 = tpu.memref_slice %arg5[%dma_start3A_61] : memref<1232xi32, #tpu.memory_space<vmem>> -> memref<112xi32, #tpu.memory_space<vmem>>
      %dma_start3A_63 = arith.constant 0 : i32
      %dma_start3A_64 = arith.constant 0 : i32
      %dma_start3A_65 = tpu.memref_slice %arg2[%dma_start3A_63, %dma_start3A_64] : memref<50000x128xf32, #tpu.memory_space<hbm>> -> memref<50000x128xf32, #tpu.memory_space<hbm>>
      tpu.enqueue_indirect_dma source(%dma_start3A_65 : memref<50000x128xf32, #tpu.memory_space<hbm>>) target(%arg7 : memref<112x128xf32, #tpu.memory_space<vmem>>) offsets(%dma_start3A_62 : memref<112xi32, #tpu.memory_space<vmem>>) semaphore(%arg8 : memref<!tpu.dma_semaphore, #tpu.memory_space<semaphore_mem>>) {add = true}
      %dma_start3A_66 = arith.constant 1008 : i32
      %dma_start3A_67 = tpu.memref_slice %arg5[%dma_start3A_66] : memref<1232xi32, #tpu.memory_space<vmem>> -> memref<112xi32, #tpu.memory_space<vmem>>
      %dma_start3A_68 = arith.constant 0 : i32
      %dma_start3A_69 = arith.constant 0 : i32
      %dma_start3A_70 = tpu.memref_slice %arg2[%dma_start3A_68, %dma_start3A_69] : memref<50000x128xf32, #tpu.memory_space<hbm>> -> memref<50000x128xf32, #tpu.memory_space<hbm>>
      tpu.enqueue_indirect_dma source(%dma_start3A_70 : memref<50000x128xf32, #tpu.memory_space<hbm>>) target(%arg7 : memref<112x128xf32, #tpu.memory_space<vmem>>) offsets(%dma_start3A_67 : memref<112xi32, #tpu.memory_space<vmem>>) semaphore(%arg8 : memref<!tpu.dma_semaphore, #tpu.memory_space<semaphore_mem>>) {add = true}
      %dma_start3A_71 = arith.constant 1120 : i32
      %dma_start3A_72 = tpu.memref_slice %arg5[%dma_start3A_71] : memref<1232xi32, #tpu.memory_space<vmem>> -> memref<112xi32, #tpu.memory_space<vmem>>
      %dma_start3A_73 = arith.constant 0 : i32
      %dma_start3A_74 = arith.constant 0 : i32
      %dma_start3A_75 = tpu.memref_slice %arg2[%dma_start3A_73, %dma_start3A_74] : memref<50000x128xf32, #tpu.memory_space<hbm>> -> memref<50000x128xf32, #tpu.memory_space<hbm>>
      tpu.enqueue_indirect_dma source(%dma_start3A_75 : memref<50000x128xf32, #tpu.memory_space<hbm>>) target(%arg7 : memref<112x128xf32, #tpu.memory_space<vmem>>) offsets(%dma_start3A_72 : memref<112xi32, #tpu.memory_space<vmem>>) semaphore(%arg8 : memref<!tpu.dma_semaphore, #tpu.memory_space<semaphore_mem>>) {add = true}
      %dma_wait3A_76 = arith.constant 0 : i32
      %dma_wait3A_77 = tpu.memref_slice %arg5[%dma_wait3A_76] : memref<1232xi32, #tpu.memory_space<vmem>> -> memref<112xi32, #tpu.memory_space<vmem>>
      %dma_wait3A_78 = arith.constant 0 : i32
      %dma_wait3A_79 = arith.constant 0 : i32
      %dma_wait3A_80 = tpu.memref_slice %arg2[%dma_wait3A_78, %dma_wait3A_79] : memref<50000x128xf32, #tpu.memory_space<hbm>> -> memref<50000x128xf32, #tpu.memory_space<hbm>>
      tpu.wait_indirect_dma semaphore(%arg8 : memref<!tpu.dma_semaphore, #tpu.memory_space<semaphore_mem>>) src(%dma_wait3A_80 : memref<50000x128xf32, #tpu.memory_space<hbm>>) dst(%arg6 : memref<112x128xf32, #tpu.memory_space<vmem>>)
      %dma_wait3A_81 = arith.constant 112 : i32
      %dma_wait3A_82 = tpu.memref_slice %arg5[%dma_wait3A_81] : memref<1232xi32, #tpu.memory_space<vmem>> -> memref<112xi32, #tpu.memory_space<vmem>>
      %dma_wait3A_83 = arith.constant 0 : i32
      %dma_wait3A_84 = arith.constant 0 : i32
      %dma_wait3A_85 = tpu.memref_slice %arg2[%dma_wait3A_83, %dma_wait3A_84] : memref<50000x128xf32, #tpu.memory_space<hbm>> -> memref<50000x128xf32, #tpu.memory_space<hbm>>
      tpu.wait_indirect_dma semaphore(%arg8 : memref<!tpu.dma_semaphore, #tpu.memory_space<semaphore_mem>>) src(%dma_wait3A_85 : memref<50000x128xf32, #tpu.memory_space<hbm>>) dst(%arg7 : memref<112x128xf32, #tpu.memory_space<vmem>>)
      %dma_wait3A_86 = arith.constant 224 : i32
      %dma_wait3A_87 = tpu.memref_slice %arg5[%dma_wait3A_86] : memref<1232xi32, #tpu.memory_space<vmem>> -> memref<112xi32, #tpu.memory_space<vmem>>
      %dma_wait3A_88 = arith.constant 0 : i32
      %dma_wait3A_89 = arith.constant 0 : i32
      %dma_wait3A_90 = tpu.memref_slice %arg2[%dma_wait3A_88, %dma_wait3A_89] : memref<50000x128xf32, #tpu.memory_space<hbm>> -> memref<50000x128xf32, #tpu.memory_space<hbm>>
      tpu.wait_indirect_dma semaphore(%arg8 : memref<!tpu.dma_semaphore, #tpu.memory_space<semaphore_mem>>) src(%dma_wait3A_90 : memref<50000x128xf32, #tpu.memory_space<hbm>>) dst(%arg7 : memref<112x128xf32, #tpu.memory_space<vmem>>)
      %dma_wait3A_91 = arith.constant 336 : i32
      %dma_wait3A_92 = tpu.memref_slice %arg5[%dma_wait3A_91] : memref<1232xi32, #tpu.memory_space<vmem>> -> memref<112xi32, #tpu.memory_space<vmem>>
      %dma_wait3A_93 = arith.constant 0 : i32
      %dma_wait3A_94 = arith.constant 0 : i32
      %dma_wait3A_95 = tpu.memref_slice %arg2[%dma_wait3A_93, %dma_wait3A_94] : memref<50000x128xf32, #tpu.memory_space<hbm>> -> memref<50000x128xf32, #tpu.memory_space<hbm>>
      tpu.wait_indirect_dma semaphore(%arg8 : memref<!tpu.dma_semaphore, #tpu.memory_space<semaphore_mem>>) src(%dma_wait3A_95 : memref<50000x128xf32, #tpu.memory_space<hbm>>) dst(%arg7 : memref<112x128xf32, #tpu.memory_space<vmem>>)
      %dma_wait3A_96 = arith.constant 448 : i32
      %dma_wait3A_97 = tpu.memref_slice %arg5[%dma_wait3A_96] : memref<1232xi32, #tpu.memory_space<vmem>> -> memref<112xi32, #tpu.memory_space<vmem>>
      %dma_wait3A_98 = arith.constant 0 : i32
      %dma_wait3A_99 = arith.constant 0 : i32
      %dma_wait3A_100 = tpu.memref_slice %arg2[%dma_wait3A_98, %dma_wait3A_99] : memref<50000x128xf32, #tpu.memory_space<hbm>> -> memref<50000x128xf32, #tpu.memory_space<hbm>>
      tpu.wait_indirect_dma semaphore(%arg8 : memref<!tpu.dma_semaphore, #tpu.memory_space<semaphore_mem>>) src(%dma_wait3A_100 : memref<50000x128xf32, #tpu.memory_space<hbm>>) dst(%arg7 : memref<112x128xf32, #tpu.memory_space<vmem>>)
      %dma_wait3A_101 = arith.constant 560 : i32
      %dma_wait3A_102 = tpu.memref_slice %arg5[%dma_wait3A_101] : memref<1232xi32, #tpu.memory_space<vmem>> -> memref<112xi32, #tpu.memory_space<vmem>>
      %dma_wait3A_103 = arith.constant 0 : i32
      %dma_wait3A_104 = arith.constant 0 : i32
      %dma_wait3A_105 = tpu.memref_slice %arg2[%dma_wait3A_103, %dma_wait3A_104] : memref<50000x128xf32, #tpu.memory_space<hbm>> -> memref<50000x128xf32, #tpu.memory_space<hbm>>
      tpu.wait_indirect_dma semaphore(%arg8 : memref<!tpu.dma_semaphore, #tpu.memory_space<semaphore_mem>>) src(%dma_wait3A_105 : memref<50000x128xf32, #tpu.memory_space<hbm>>) dst(%arg7 : memref<112x128xf32, #tpu.memory_space<vmem>>)
      %dma_wait3A_106 = arith.constant 672 : i32
      %dma_wait3A_107 = tpu.memref_slice %arg5[%dma_wait3A_106] : memref<1232xi32, #tpu.memory_space<vmem>> -> memref<112xi32, #tpu.memory_space<vmem>>
      %dma_wait3A_108 = arith.constant 0 : i32
      %dma_wait3A_109 = arith.constant 0 : i32
      %dma_wait3A_110 = tpu.memref_slice %arg2[%dma_wait3A_108, %dma_wait3A_109] : memref<50000x128xf32, #tpu.memory_space<hbm>> -> memref<50000x128xf32, #tpu.memory_space<hbm>>
      tpu.wait_indirect_dma semaphore(%arg8 : memref<!tpu.dma_semaphore, #tpu.memory_space<semaphore_mem>>) src(%dma_wait3A_110 : memref<50000x128xf32, #tpu.memory_space<hbm>>) dst(%arg7 : memref<112x128xf32, #tpu.memory_space<vmem>>)
      %dma_wait3A_111 = arith.constant 784 : i32
      %dma_wait3A_112 = tpu.memref_slice %arg5[%dma_wait3A_111] : memref<1232xi32, #tpu.memory_space<vmem>> -> memref<112xi32, #tpu.memory_space<vmem>>
      %dma_wait3A_113 = arith.constant 0 : i32
      %dma_wait3A_114 = arith.constant 0 : i32
      %dma_wait3A_115 = tpu.memref_slice %arg2[%dma_wait3A_113, %dma_wait3A_114] : memref<50000x128xf32, #tpu.memory_space<hbm>> -> memref<50000x128xf32, #tpu.memory_space<hbm>>
      tpu.wait_indirect_dma semaphore(%arg8 : memref<!tpu.dma_semaphore, #tpu.memory_space<semaphore_mem>>) src(%dma_wait3A_115 : memref<50000x128xf32, #tpu.memory_space<hbm>>) dst(%arg7 : memref<112x128xf32, #tpu.memory_space<vmem>>)
      %dma_wait3A_116 = arith.constant 896 : i32
      %dma_wait3A_117 = tpu.memref_slice %arg5[%dma_wait3A_116] : memref<1232xi32, #tpu.memory_space<vmem>> -> memref<112xi32, #tpu.memory_space<vmem>>
      %dma_wait3A_118 = arith.constant 0 : i32
      %dma_wait3A_119 = arith.constant 0 : i32
      %dma_wait3A_120 = tpu.memref_slice %arg2[%dma_wait3A_118, %dma_wait3A_119] : memref<50000x128xf32, #tpu.memory_space<hbm>> -> memref<50000x128xf32, #tpu.memory_space<hbm>>
      tpu.wait_indirect_dma semaphore(%arg8 : memref<!tpu.dma_semaphore, #tpu.memory_space<semaphore_mem>>) src(%dma_wait3A_120 : memref<50000x128xf32, #tpu.memory_space<hbm>>) dst(%arg7 : memref<112x128xf32, #tpu.memory_space<vmem>>)
      %dma_wait3A_121 = arith.constant 1008 : i32
      %dma_wait3A_122 = tpu.memref_slice %arg5[%dma_wait3A_121] : memref<1232xi32, #tpu.memory_space<vmem>> -> memref<112xi32, #tpu.memory_space<vmem>>
      %dma_wait3A_123 = arith.constant 0 : i32
      %dma_wait3A_124 = arith.constant 0 : i32
      %dma_wait3A_125 = tpu.memref_slice %arg2[%dma_wait3A_123, %dma_wait3A_124] : memref<50000x128xf32, #tpu.memory_space<hbm>> -> memref<50000x128xf32, #tpu.memory_space<hbm>>
      tpu.wait_indirect_dma semaphore(%arg8 : memref<!tpu.dma_semaphore, #tpu.memory_space<semaphore_mem>>) src(%dma_wait3A_125 : memref<50000x128xf32, #tpu.memory_space<hbm>>) dst(%arg7 : memref<112x128xf32, #tpu.memory_space<vmem>>)
      %dma_wait3A_126 = arith.constant 1120 : i32
      %dma_wait3A_127 = tpu.memref_slice %arg5[%dma_wait3A_126] : memref<1232xi32, #tpu.memory_space<vmem>> -> memref<112xi32, #tpu.memory_space<vmem>>
      %dma_wait3A_128 = arith.constant 0 : i32
      %dma_wait3A_129 = arith.constant 0 : i32
      %dma_wait3A_130 = tpu.memref_slice %arg2[%dma_wait3A_128, %dma_wait3A_129] : memref<50000x128xf32, #tpu.memory_space<hbm>> -> memref<50000x128xf32, #tpu.memory_space<hbm>>
      tpu.wait_indirect_dma semaphore(%arg8 : memref<!tpu.dma_semaphore, #tpu.memory_space<semaphore_mem>>) src(%dma_wait3A_130 : memref<50000x128xf32, #tpu.memory_space<hbm>>) dst(%arg7 : memref<112x128xf32, #tpu.memory_space<vmem>>)
      %mul3A_131 = arith.constant 784 : i32
      %mul3A_132 = arith.muli %add3A, %mul3A_131 : i32
      %mul3A_133 = arith.constant 112 : i32
      %mul3A_134 = arith.muli %scan3A_7, %mul3A_133 : i32
      %add3A_135 = arith.addi %mul3A_132, %mul3A_134 : i32
      "tpu.region"() ({
        %run_scoped3A = tpu.sem_alloc : memref<!tpu.dma_semaphore, #tpu.memory_space<semaphore_mem>>
        %dma_start3A_138 = arith.constant 0 : i32
        %dma_start3A_139 = tpu.memref_slice %arg4[%add3A_135, %dma_start3A_138] : memref<50176x128xf32, #tpu.memory_space<hbm>> -> memref<112x128xf32, #tpu.memory_space<hbm>>
        %dma_start3A_140 = arith.constant 0 : i32
        %dma_start3A_141 = tpu.memref_slice %arg4[%add3A_135, %dma_start3A_140] : memref<50176x128xf32, #tpu.memory_space<hbm>> -> memref<112x128xf32, #tpu.memory_space<hbm>>
        tpu.enqueue_dma source(%arg6 : memref<112x128xf32, #tpu.memory_space<vmem>>) target(%dma_start3A_141 : memref<112x128xf32, #tpu.memory_space<hbm>>) target_semaphore(%run_scoped3A : memref<!tpu.dma_semaphore, #tpu.memory_space<semaphore_mem>>)
        %dma_wait3A_142 = arith.constant 0 : i32
        %dma_wait3A_143 = tpu.memref_slice %arg4[%add3A_135, %dma_wait3A_142] : memref<50176x128xf32, #tpu.memory_space<hbm>> -> memref<112x128xf32, #tpu.memory_space<hbm>>
        %dma_wait3A_144 = arith.constant 0 : i32
        %dma_wait3A_145 = tpu.memref_slice %arg4[%add3A_135, %dma_wait3A_144] : memref<50176x128xf32, #tpu.memory_space<hbm>> -> memref<112x128xf32, #tpu.memory_space<hbm>>
        tpu.wait_dma2 semaphore(%run_scoped3A : memref<!tpu.dma_semaphore, #tpu.memory_space<semaphore_mem>>) src(%arg6 : memref<112x128xf32, #tpu.memory_space<vmem>>) dst(%dma_wait3A_145 : memref<112x128xf32, #tpu.memory_space<hbm>>)
        tpu.yield
      }) : () -> ()
      %add3A_136 = arith.constant 25088 : i32
      %add3A_137 = arith.addi %add3A_136, %add3A_135 : i32
      "tpu.region"() ({
        %run_scoped3A = tpu.sem_alloc : memref<!tpu.dma_semaphore, #tpu.memory_space<semaphore_mem>>
        %dma_start3A_138 = arith.constant 0 : i32
        %dma_start3A_139 = tpu.memref_slice %arg4[%add3A_137, %dma_start3A_138] : memref<50176x128xf32, #tpu.memory_space<hbm>> -> memref<112x128xf32, #tpu.memory_space<hbm>>
        %dma_start3A_140 = arith.constant 0 : i32
        %dma_start3A_141 = tpu.memref_slice %arg4[%add3A_137, %dma_start3A_140] : memref<50176x128xf32, #tpu.memory_space<hbm>> -> memref<112x128xf32, #tpu.memory_space<hbm>>
        tpu.enqueue_dma source(%arg7 : memref<112x128xf32, #tpu.memory_space<vmem>>) target(%dma_start3A_141 : memref<112x128xf32, #tpu.memory_space<hbm>>) target_semaphore(%run_scoped3A : memref<!tpu.dma_semaphore, #tpu.memory_space<semaphore_mem>>)
        %dma_wait3A_142 = arith.constant 0 : i32
        %dma_wait3A_143 = tpu.memref_slice %arg4[%add3A_137, %dma_wait3A_142] : memref<50176x128xf32, #tpu.memory_space<hbm>> -> memref<112x128xf32, #tpu.memory_space<hbm>>
        %dma_wait3A_144 = arith.constant 0 : i32
        %dma_wait3A_145 = tpu.memref_slice %arg4[%add3A_137, %dma_wait3A_144] : memref<50176x128xf32, #tpu.memory_space<hbm>> -> memref<112x128xf32, #tpu.memory_space<hbm>>
        tpu.wait_dma2 semaphore(%run_scoped3A : memref<!tpu.dma_semaphore, #tpu.memory_space<semaphore_mem>>) src(%arg7 : memref<112x128xf32, #tpu.memory_space<vmem>>) dst(%dma_wait3A_145 : memref<112x128xf32, #tpu.memory_space<hbm>>)
        tpu.yield
      }) : () -> ()
    }
    %scan3A_6 = arith.constant 7 : i32
    return
  }
}

module attributes {stable_mosaic.version = 14 : i64} {
  func.func @_matmul_body(%arg0: i32, %arg1: memref<1x6272x128xf32, #tpu.memory_space<vmem>>, %arg2: memref<1x6272x128xf32, #tpu.memory_space<vmem>>, %arg3: memref<2x128x128xf32, #tpu.memory_space<vmem>>, %arg4: memref<6272x128xf32, #tpu.memory_space<vmem>>) attributes {dimension_semantics = [#tpu.dimension_semantics<arbitrary>], iteration_bounds = array<i64: 4>, scalar_prefetch = 0 : i64, scratch_operands = 0 : i64, tpu.core_type = #tpu.core_type<tc>, window_params = [{transform_indices = @transform_0, window_bounds = array<i64: 1, 6272, 128>}, {transform_indices = @transform_1, window_bounds = array<i64: 1, 6272, 128>}, {pipeline_mode = #tpu.pipeline_mode<synchronous>, transform_indices = @transform_2, window_bounds = array<i64: 2, 128, 128>}, {transform_indices = @transform_3, window_bounds = array<i64: 6272, 128>}]} {
    %get3A = arith.constant 0 : index
    %get3A_0 = arith.constant 0 : index
    %get3A_1 = arith.constant 0 : index
    %get3A_2 = vector.load %arg1[%get3A, %get3A_0, %get3A_1] : memref<1x6272x128xf32, #tpu.memory_space<vmem>>, vector<1x6272x128xf32>
    %get3A_3 = vector.shape_cast %get3A_2 : vector<1x6272x128xf32> to vector<6272x128xf32>
    %get3A_4 = arith.constant 0 : index
    %get3A_5 = arith.constant 0 : index
    %get3A_6 = arith.constant 0 : index
    %get3A_7 = vector.load %arg3[%get3A_4, %get3A_5, %get3A_6] : memref<2x128x128xf32, #tpu.memory_space<vmem>>, vector<1x128x128xf32>
    %get3A_8 = vector.shape_cast %get3A_7 : vector<1x128x128xf32> to vector<128x128xf32>
    %dot_general3A = arith.constant dense<0.000000e+00> : vector<6272x128xf32>
    %dot_general3A_9 = tpu.matmul %get3A_3, %get3A_8, %dot_general3A {dimension_numbers = #tpu.dot_dimension_numbers<[1], [0], [0], [1], [0, 0, 1, 1], [], []>, transpose_lhs_hint = false} : vector<6272x128xf32>, vector<128x128xf32>, vector<6272x128xf32> -> vector<6272x128xf32>
    %get3A_10 = arith.constant 0 : index
    %get3A_11 = arith.constant 0 : index
    %get3A_12 = arith.constant 0 : index
    %get3A_13 = vector.load %arg2[%get3A_10, %get3A_11, %get3A_12] : memref<1x6272x128xf32, #tpu.memory_space<vmem>>, vector<1x6272x128xf32>
    %get3A_14 = vector.shape_cast %get3A_13 : vector<1x6272x128xf32> to vector<6272x128xf32>
    %get3A_15 = arith.constant 1 : index
    %get3A_16 = arith.constant 0 : index
    %get3A_17 = arith.constant 0 : index
    %get3A_18 = vector.load %arg3[%get3A_15, %get3A_16, %get3A_17] : memref<2x128x128xf32, #tpu.memory_space<vmem>>, vector<1x128x128xf32>
    %get3A_19 = vector.shape_cast %get3A_18 : vector<1x128x128xf32> to vector<128x128xf32>
    %dot_general3A_20 = arith.constant dense<0.000000e+00> : vector<6272x128xf32>
    %dot_general3A_21 = tpu.matmul %get3A_14, %get3A_19, %dot_general3A_20 {dimension_numbers = #tpu.dot_dimension_numbers<[1], [0], [0], [1], [0, 0, 1, 1], [], []>, transpose_lhs_hint = false} : vector<6272x128xf32>, vector<128x128xf32>, vector<6272x128xf32> -> vector<6272x128xf32>
    %add3A = arith.addf %dot_general3A_9, %dot_general3A_21 : vector<6272x128xf32>
    %max3A = arith.constant 0.000000e+00 : f32
    %max3A_22 = vector.broadcast %max3A : f32 to vector<6272x128xf32>
    %max3A_23 = arith.maximumf %add3A, %max3A_22 : vector<6272x128xf32>
    %swap3A = arith.constant 0 : index
    %swap3A_24 = arith.constant 0 : index
    %swap3A_25 = vector.load %arg4[%swap3A, %swap3A_24] : memref<6272x128xf32, #tpu.memory_space<vmem>>, vector<6272x128xf32>
    tpu.vector_store %arg4[%swap3A, %swap3A_24], %max3A_23 {strides = array<i32>} : memref<6272x128xf32, #tpu.memory_space<vmem>>, vector<6272x128xf32>,
    return
  }
  func.func @transform_0(%arg0: i32) -> (i32, i32, i32) {
    %c0_i32 = arith.constant 0 : i32
    %c0_i32_0 = arith.constant 0 : i32
    %c0_i32_1 = arith.constant 0 : i32
    return %c0_i32, %arg0, %c0_i32_0 : i32, i32, i32
  }
  func.func @transform_1(%arg0: i32) -> (i32, i32, i32) {
    %c1_i32 = arith.constant 1 : i32
    %c0_i32 = arith.constant 0 : i32
    %c0_i32_0 = arith.constant 0 : i32
    return %c1_i32, %arg0, %c0_i32 : i32, i32, i32
  }
  func.func @transform_2(%arg0: i32) -> (i32, i32, i32) {
    %c0_i32 = arith.constant 0 : i32
    %c0_i32_0 = arith.constant 0 : i32
    %c0_i32_1 = arith.constant 0 : i32
    %c0_i32_2 = arith.constant 0 : i32
    return %c0_i32, %c0_i32_0, %c0_i32_1 : i32, i32, i32
  }
  func.func @transform_3(%arg0: i32) -> (i32, i32) {
    %c0_i32 = arith.constant 0 : i32
    %c0_i32_0 = arith.constant 0 : i32
    return %arg0, %c0_i32 : i32, i32
  }
}

module attributes {stable_mosaic.version = 14 : i64} {
  func.func @_matmul_body2(%arg0: i32, %arg1: memref<1x6272x128xf32, #tpu.memory_space<vmem>>, %arg2: memref<1x6272x128xf32, #tpu.memory_space<vmem>>, %arg3: memref<2x128x128xf32, #tpu.memory_space<vmem>>, %arg4: memref<50000x128xf32, #tpu.memory_space<any>>, %arg5: memref<6272x128xf32, #tpu.memory_space<vmem>>) attributes {dimension_semantics = [#tpu.dimension_semantics<arbitrary>], iteration_bounds = array<i64: 4>, scalar_prefetch = 0 : i64, scratch_operands = 0 : i64, tpu.core_type = #tpu.core_type<tc>, window_params = [{transform_indices = @transform_0, window_bounds = array<i64: 1, 6272, 128>}, {transform_indices = @transform_1, window_bounds = array<i64: 1, 6272, 128>}, {pipeline_mode = #tpu.pipeline_mode<synchronous>, transform_indices = @transform_2, window_bounds = array<i64: 2, 128, 128>}, {}, {transform_indices = @transform_4, window_bounds = array<i64: 6272, 128>}]} {
    %get3A = arith.constant 0 : index
    %get3A_0 = arith.constant 0 : index
    %get3A_1 = arith.constant 0 : index
    %get3A_2 = vector.load %arg1[%get3A, %get3A_0, %get3A_1] : memref<1x6272x128xf32, #tpu.memory_space<vmem>>, vector<1x6272x128xf32>
    %get3A_3 = vector.shape_cast %get3A_2 : vector<1x6272x128xf32> to vector<6272x128xf32>
    %get3A_4 = arith.constant 0 : index
    %get3A_5 = arith.constant 0 : index
    %get3A_6 = arith.constant 0 : index
    %get3A_7 = vector.load %arg3[%get3A_4, %get3A_5, %get3A_6] : memref<2x128x128xf32, #tpu.memory_space<vmem>>, vector<1x128x128xf32>
    %get3A_8 = vector.shape_cast %get3A_7 : vector<1x128x128xf32> to vector<128x128xf32>
    %dot_general3A = arith.constant dense<0.000000e+00> : vector<6272x128xf32>
    %dot_general3A_9 = tpu.matmul %get3A_3, %get3A_8, %dot_general3A {dimension_numbers = #tpu.dot_dimension_numbers<[1], [0], [0], [1], [0, 0, 1, 1], [], []>, transpose_lhs_hint = false} : vector<6272x128xf32>, vector<128x128xf32>, vector<6272x128xf32> -> vector<6272x128xf32>
    %get3A_10 = arith.constant 0 : index
    %get3A_11 = arith.constant 0 : index
    %get3A_12 = arith.constant 0 : index
    %get3A_13 = vector.load %arg2[%get3A_10, %get3A_11, %get3A_12] : memref<1x6272x128xf32, #tpu.memory_space<vmem>>, vector<1x6272x128xf32>
    %get3A_14 = vector.shape_cast %get3A_13 : vector<1x6272x128xf32> to vector<6272x128xf32>
    %get3A_15 = arith.constant 1 : index
    %get3A_16 = arith.constant 0 : index
    %get3A_17 = arith.constant 0 : index
    %get3A_18 = vector.load %arg3[%get3A_15, %get3A_16, %get3A_17] : memref<2x128x128xf32, #tpu.memory_space<vmem>>, vector<1x128x128xf32>
    %get3A_19 = vector.shape_cast %get3A_18 : vector<1x128x128xf32> to vector<128x128xf32>
    %dot_general3A_20 = arith.constant dense<0.000000e+00> : vector<6272x128xf32>
    %dot_general3A_21 = tpu.matmul %get3A_14, %get3A_19, %dot_general3A_20 {dimension_numbers = #tpu.dot_dimension_numbers<[1], [0], [0], [1], [0, 0, 1, 1], [], []>, transpose_lhs_hint = false} : vector<6272x128xf32>, vector<128x128xf32>, vector<6272x128xf32> -> vector<6272x128xf32>
    %add3A = arith.addf %dot_general3A_9, %dot_general3A_21 : vector<6272x128xf32>
    %max3A = arith.constant 0.000000e+00 : f32
    %max3A_22 = vector.broadcast %max3A : f32 to vector<6272x128xf32>
    %max3A_23 = arith.maximumf %add3A, %max3A_22 : vector<6272x128xf32>
    %swap3A = arith.constant 0 : index
    %swap3A_24 = arith.constant 0 : index
    %swap3A_25 = vector.load %arg5[%swap3A, %swap3A_24] : memref<6272x128xf32, #tpu.memory_space<vmem>>, vector<6272x128xf32>
    tpu.vector_store %arg5[%swap3A, %swap3A_24], %max3A_23 {strides = array<i32>} : memref<6272x128xf32, #tpu.memory_space<vmem>>, vector<6272x128xf32>,
    return
  }
  func.func @transform_0(%arg0: i32) -> (i32, i32, i32) {
    %c0_i32 = arith.constant 0 : i32
    %c0_i32_0 = arith.constant 0 : i32
    %c0_i32_1 = arith.constant 0 : i32
    return %c0_i32, %arg0, %c0_i32_0 : i32, i32, i32
  }
  func.func @transform_1(%arg0: i32) -> (i32, i32, i32) {
    %c1_i32 = arith.constant 1 : i32
    %c0_i32 = arith.constant 0 : i32
    %c0_i32_0 = arith.constant 0 : i32
    return %c1_i32, %arg0, %c0_i32 : i32, i32, i32
  }
  func.func @transform_2(%arg0: i32) -> (i32, i32, i32) {
    %c0_i32 = arith.constant 0 : i32
    %c0_i32_0 = arith.constant 0 : i32
    %c0_i32_1 = arith.constant 0 : i32
    %c0_i32_2 = arith.constant 0 : i32
    return %c0_i32, %c0_i32_0, %c0_i32_1 : i32, i32, i32
  }
  func.func @transform_4(%arg0: i32) -> (i32, i32) {
    %add3A = arith.constant 4 : i32
    %add3A_0 = arith.addi %arg0, %add3A : i32
    %c0_i32 = arith.constant 0 : i32
    %c0_i32_1 = arith.constant 0 : i32
    return %add3A_0, %c0_i32 : i32, i32
  }
}

</mosaic_0001>

<sc_bundles>
// kernel: kernel.6.cloned.1.call-start
scs
__scs_entry_jumppad:
0x0: {  	(pc) =	sbr.rel $0x88, $3  }
0x1: {  	(tag) =	ssettag $0x0;
	lr =	simm.s32 $0x1  }
0x2: {  	[smem:$0x3F9D] =	sst lr;
	_ =	strace $0xD0000000  }
0x3: {  	_ = 	snop  }
0x4: {  	_ = 	snop  }
0x5: {  	_ = 	snop  }
0x6: {  	_ = 	snop  }
0x7: {  	_ = 	snop  }
__scs_overlays_trampoline_lowered:
0x8: {  	[smem:$0x3FAC] =	sst s0  }
0x9: {  	[smem:$0x3FAD] =	sst s1  }
0xa: {  	[smem:$0x3FAE] =	sst s2  }
0xb: {  	[smem:$0x3FAF] =	sst s3  }
0xc: {  	[smem:$0x3FB0] =	sst s4  }
0xd: {  	[smem:$0x3FB1] =	sst s5  }
0xe: {  	[smem:$0x3FB2] =	sst s6  }
0xf: {  	[smem:$0x3FB3] =	sst s7  }
0x10: {  	[smem:$0x3FB4] =	sst s8  }
0x11: {  	[smem:$0x3FB5] =	sst s9;
	s0 =	simm.s32 @!p0 $0x0  }
0x12: {  	s1 =	sld [smem:$0x3F9B];
	s0 =	simm.s32 @p0 $0x1  }
0x13: {  	[smem:$0x3FB6] =	sst s0;
	s0 =	simm.s32 @!p1 $0x0  }
0x14: {  	s2 =	sld [smem:$0x3F9A];
	s0 =	simm.s32 @p1 $0x1  }
0x15: {  	[smem:$0x3FB7] =	sst s0;
	s0 =	simm.s32 @!p2 $0x0  }
0x16: {  	s3 =	sld [smem:$0x3FDB];
	s0 =	simm.s32 @p2 $0x1  }
0x17: {  	s4 =	simm.s32 $0x1BF5;
	[smem:$0x3FB9] =	sst s0  }
0x18: {  	s0 =	sld [smem:$0x3F9C];
	_ =	swait.ge [sflag:s4], $0x0  }
0x19: {  	s7 =	sld [smem:$0x3F9D]  }
0x1a: {  	s8 =	sadd.s32 $0xFFFFE003, lr  }
0x1b: {  	s9 =	sadd.s32 $0xFFFFFEF7, lr;
	s5 =	simm.s32 $0xFFFFFFFF;
	p2 =	slt.u32 s8, $0xFFFFF086  }
0x1c: {  	p1 =	slt.u32 s9, $0xF7A;
	s5 =	simm.s32 @!p2 $0x0  }
0x1d: {  	s5 =	simm.s32 @p1 $0x1;
	p0 =	seq.s32 s7, s2  }
0x1e: {  	s7 =	smul.u32 @!p0 $0xF7A, s2;
	p2 =	seq.s32 @!p0 s5, $0x0  }
0x1f: {  	s9 =	smul.u32 $0xF7A, s1;
	s8 =	simm.s32 @!p0 $0x1BF5;
	p2 =	por !p2, p0  }
0x20: {  	[sflag:s8] =	ssyncset.s32 @!p0 $0xFFFFF086;
	s6 =	sadd.s32 @!p0 s3, s7;
	s7 =	simm.s32 @!p0 $0x108  }
0x21: {  	s3 =	sadd.s32 s3, s9;
	s6 =	sadd.s32 @!p0 $0x88, s6;
	s7 =	simm.s32 @p2 $0x1082  }
0x22: {  	[simem:s7], [sflag:s8] =	dma.local @!p0 [hbm:s6], $0xF7A  }
0x23: {  	s9 =	sor.u32 $0xD0000000, s2;
	s6 =	simm.s32 $0x108;
	_ =	swait.ge @!p0 [sflag:s8], $0x0  }
0x24: {  	s3 =	sadd.s32 $0x88, s3;
	s6 =	simm.s32 @!p1 $0x1082;
	[sflag:s4] =	ssyncset.s32 $0xFFFFF086  }
0x25: {  	[simem:s6], [sflag:s4] =	dma.local [hbm:s3], $0xF7A  }
0x26: {  	[smem:$0x3F9D] =	sst s1;
	(tag) =	ssettag s2;
	_ =	strace s9  }
0x27: {  	s1 =	sld [smem:$0x3FAD]  }
0x28: {  	s2 =	sld [smem:$0x3FAE]  }
0x29: {  	s4 =	sld [smem:$0x3FB0]  }
0x2a: {  	p0 =	seq.s32 s5, $0x0;
	s5 =	sld [smem:$0x3FB1]  }
0x2b: {  	s6 =	sld [smem:$0x3FB2]  }
0x2c: {  	s7 =	sld [smem:$0x3FB3]  }
0x2d: {  	s3 =	simm.s32 $0x108;
	s8 =	sld [smem:$0x3FB4]  }
0x2e: {  	s3 =	simm.s32 @!p0 $0x1082;
	s9 =	sld [smem:$0x3FB5]  }
0x2f: {  	lr =	sadd.s32 s0, s3;
	s0 =	sld [smem:$0x3FAC]  }
0x30: {  	s3 =	sld [smem:$0x3FAF]  }
0x31: {  	[smem:$0x3FB8] =	sst s10  }
0x32: {  	s10 =	sld [smem:$0x3FB6];
	_ =	sdelay $0x3  }
0x33: {  	p0 =	seq.s32 s10, $0x1;
	s10 =	sld [smem:$0x3FB8];
	_ =	sdelay $0x3  }
0x34: {  	[smem:$0x3FB8] =	sst s10  }
0x35: {  	s10 =	sld [smem:$0x3FB7];
	_ =	sdelay $0x3  }
0x36: {  	p1 =	seq.s32 s10, $0x1;
	s10 =	sld [smem:$0x3FB8];
	_ =	sdelay $0x3  }
0x37: {  	[smem:$0x3FB8] =	sst s10  }
0x38: {  	s10 =	sld [smem:$0x3FB9]  }
0x39: {  	_ = 	snop;
	(pc) =	sbr.ind lr, $3  }
0x3a: {  	_ = 	snop  }
0x3b: {  	_ = 	snop  }
0x3c: {  	p2 =	seq.s32 s10, $0x1;
	s10 =	sld [smem:$0x3FB8]  }
0x3d: {  	_ =	shalt  }
0x3e: {  	_ =	shalt  }
0x3f: {  	_ =	shalt  }
0x40: {  	_ =	shalt  }
0x41: {  	_ =	shalt  }
0x42: {  	_ =	shalt  }
0x43: {  	_ =	shalt  }
0x44: {  	_ =	shalt  }
0x45: {  	_ =	shalt  }
0x46: {  	_ =	shalt  }
0x47: {  	_ =	shalt  }
0x48: {  	_ =	shalt  }
0x49: {  	_ =	shalt  }
0x4a: {  	_ =	shalt  }
0x4b: {  	_ =	shalt  }
0x4c: {  	_ =	shalt  }
0x4d: {  	_ =	shalt  }
0x4e: {  	_ =	shalt  }
0x4f: {  	_ =	shalt  }
0x50: {  	_ =	shalt  }
0x51: {  	_ =	shalt  }
0x52: {  	_ =	shalt  }
0x53: {  	_ =	shalt  }
0x54: {  	_ =	shalt  }
0x55: {  	_ =	shalt  }
0x56: {  	_ =	shalt  }
0x57: {  	_ =	shalt  }
0x58: {  	_ =	shalt  }
0x59: {  	_ =	shalt  }
0x5a: {  	_ =	shalt  }
0x5b: {  	_ =	shalt  }
0x5c: {  	_ =	shalt  }
0x5d: {  	_ =	shalt  }
0x5e: {  	_ =	shalt  }
0x5f: {  	_ =	shalt  }
0x60: {  	_ =	shalt  }
0x61: {  	_ =	shalt  }
0x62: {  	_ =	shalt  }
0x63: {  	_ =	shalt  }
0x64: {  	_ =	shalt  }
0x65: {  	_ =	shalt  }
0x66: {  	_ =	shalt  }
0x67: {  	_ =	shalt  }
0x68: {  	_ =	shalt  }
0x69: {  	_ =	shalt  }
0x6a: {  	_ =	shalt  }
0x6b: {  	_ =	shalt  }
0x6c: {  	_ =	shalt  }
0x6d: {  	_ =	shalt  }
0x6e: {  	_ =	shalt  }
0x6f: {  	_ =	shalt  }
0x70: {  	_ =	shalt  }
0x71: {  	_ =	shalt  }
0x72: {  	_ =	shalt  }
0x73: {  	_ =	shalt  }
0x74: {  	_ =	shalt  }
0x75: {  	_ =	shalt  }
0x76: {  	_ =	shalt  }
0x77: {  	_ =	shalt  }
0x78: {  	_ =	shalt  }
0x79: {  	_ =	shalt  }
0x7a: {  	_ =	shalt  }
0x7b: {  	_ =	shalt  }
0x7c: {  	_ =	shalt  }
0x7d: {  	_ =	shalt  }
0x7e: {  	_ =	shalt  }
0x7f: {  	_ =	shalt  }
0x80: {  	_ =	shalt  }
0x81: {  	_ =	shalt  }
0x82: {  	_ =	shalt  }
0x83: {  	_ =	shalt  }
0x84: {  	_ =	shalt  }
0x85: {  	_ =	shalt  }
0x86: {  	_ =	shalt  }
0x87: {  	_ =	shalt  }
.Lfunc_end0:
.L_simem_size_0:
called_computation_lowered:
.L_overlay_start_0:
0x88: {  	s2 =	sld [smem:$0x3FD9]  }
0x89: {  	s3 =	sld [smem:$0x3FFE];
	_ =	sdelay $0x1  }
0x8a: {  	s1 =	srdreg.scid  }
0x8b: {  	s0 =	sand.u32 $0x1, s1  }
0x8c: {  	s17 =	sshll.u32 s0, $0xA;
	s2 =	sadd.s32 s3, s2  }
0x8d: {  	s2 =	sadd.s32 s2, s17  }
0x8e: {  	[smem:$0x3FC4] =	sst s2  }
0x8f: {  	_ = 	snop  }
0x90: {  	s2 =	sld [smem:$0x3FC7]  }
0x91: {  	s18 =	sld [smem:$0x3FD0];
	(tm) =	ssettm $0x1  }
0x92: {  	s4 =	sld [smem:$0x3FFB];
	_ =	sdelay $0x3  }
0x93: {  	_ =	strace s4  }
0x94: {  	s4 =	sld [smem:$0x3FFC];
	_ =	sdelay $0x3  }
0x95: {  	_ =	strace s4  }
0x96: {  	s4 =	sld [smem:$0x3FFD];
	_ =	sdelay $0x3  }
0x97: {  	_ =	strace s4  }
0x98: {  	_ =	strace $0x8FFFFFFF  }
0x99: {  	s19 =	sld [smem:$0x3FDB];
	_ =	sdelay $0x1  }
0x9a: {  	s5 =	simm.s32 $_scs_section_size  }
0x9b: {  	s6 =	simm.s32 $_size__tile_overlayer_lowered;
	s7 =	simm.s32 $_tile_overlayer_lowered  }
0x9c: {  	s22 =	simm.s32 $0x1BFF;
	s21 =	sshll.u32 s7, $0x1;
	s4 =	sadd.s32 s5, s19  }
0x9d: {  	s8 =	simm.s32 $0x0;
	s20 =	sshll.u32 s6, $0x1;
	s6 =	sadd.s32 s21, s4  }
0x9e: {  	[timem:s8], [sflag:s22] =	dma.local [hbm:s6], s20  }
0x9f: {  	_ =	swait.ge [sflag:s22], s20  }
0xa0: {  	s5 =	ssub.s32 $0x0, s20;
	[sflag:s22] =	ssyncset.done $0x0  }
0xa1: {  	[sflag:s22] =	ssyncadd.s32 s5;
	_ =	sdelay $0x1  }
0xa2: {  	s23 =	simm.s32 $0x1B8B  }
0xa3: {  	_ =	swait.ge [sflag:s23], $0x1  }
0xa4: {  	[sflag:s23] =	ssyncset.done $0x0  }
0xa5: {  	s25 =	simm.s32 $0x1B8E;
	s24 =	sld [smem:$0x3FFE];
	[sflag:s23] =	ssyncadd.s32 $0xFFFFFFFF  }
0xa6: {  	s26 =	simm.s32 $execute0_lowered;
	[smem:$0x3FD2] =	sst s25  }
0xa7: {  	s6 =	sshll.u32 s26, $0x1;
	_ =	strace $0x80000046;
	[dreg:$0x1] =	wrdreg $0xFFFFFFFF  }
0xa8: {  	s28 =	simm.s32 $_size_execute0_lowered;
	s4 =	sadd.s32 s4, s6;
	[dreg:$0x0] =	wrdreg $0x0  }
0xa9: {  	s6 =	sshll.u32 s28, $0x1;
	[dreg:$0x2] =	wrdreg s4  }
0xaa: {  	[dreg:$0x3] =	wrdreg s6  }
0xab: {  	[dreg:$0x4] =	wrdreg $0xC0  }
0xac: {  	_ =	task [dreg:s8], $0x5FFFF  }
0xad: {  	[dreg:$0x1] =	wrdreg $0xFFFFFFFF  }
0xae: {  	[dreg:$0x0] =	wrdreg $0x60  }
0xaf: {  	[dreg:$0x2] =	wrdreg s2  }
0xb0: {  	[dreg:$0x3] =	wrdreg s18  }
0xb1: {  	[dreg:$0x4] =	wrdreg s24  }
0xb2: {  	[dreg:$0x5] =	wrdreg $0x9  }
0xb3: {  	_ =	task.clear_ibuf [dreg:s8], $0x6FFFF;
	_ =	strace $0x90000046  }
0xb4: {  	s29 =	simm.s32 $0x9;
	_ =	strace $0x80000048  }
0xb5: {  	_ =	swait.ge [sflag:s29], $0x1  }
0xb6: {  	[sflag:s29] =	ssyncadd.s32 $0xFFFFFFFF  }
0xb7: {  	_ =	strace $0x90000048  }
0xb8: {  	_ =	sfence  }
0xb9: {  	s30 =	sld [smem:$0x0];
	_ =	sdelay $0x2  }
0xba: {  	s31 =	sshll.u32 s1, $0xD;
	s1 =	sshrl.u32 s1, $0x2  }
0xbb: {  	s3 =	sand.u32 $0x4000, s31;
	s1 =	sadd.s32 s1, s30  }
0xbc: {  	s0 =	sor.u32 s3, s0;
	s1 =	sshll.u32 s1, $0x11  }
0xbd: {  	s0 =	sor.u32 s1, s0  }
0xbe: {  	s0 =	sadd.s32 $0x8F2B, s0  }
0xbf: {  	[sflag:s0] =	ssyncadd.remote.s32 $0x1  }
0xc0: {  	_ =	sfence.sel $0xFFFF  }
0xc1: {  	[dreg:$0x0] =	wrdreg $0xFFFFFFFF;
	(pc) =	sbr.abs _section_cstart, $3  }
0xc2: {  	[dreg:$0x1] =	wrdreg $0xFFFFFFFF  }
0xc3: {  	_ =	task.clear_ibuf [dreg:s8], $0x2FFFF;
	_ =	strace $0x9FFFFFFF  }
0xc4: {  	(tm) =	ssettm $0x7FFFFFFF  }
0xc5: {  	_ =	shalt  }
tec
execute0_lowered:
.L_overlay_start_1:
0x0: {  	(tag) =	ssettag $0x1  }
0x1: {  	s1 =	rddreg [dreg:$0x0]  }
0x2: {  	s2 =	rddreg [dreg:$0x1]  }
0x3: {  	s8 =	rddreg [dreg:$0x2]  }
0x4: {  	s0 =	rddreg [dreg:$0x3];
	s5 =	srdreg.scid  }
0x5: {  	s4 =	simm.s32 $0x0;
	s3 =	stileid.u32;
	s10 =	simm.s32 $0x1  }
0x6: {  	s11 =	simm.s32 $0x70;
	s12 =	simm.s32 $0x500;
	s13 =	simm.s32 $0x3D00  }
0x7: {  	s14 =	simm.s32 $0xE0;
	s15 =	simm.s32 $0x150;
	s16 =	simm.s32 $0x1C0  }
0x8: {  	s17 =	simm.s32 $0x230;
	s18 =	simm.s32 $0x2A0;
	s19 =	simm.s32 $0x310  }
0x9: {  	s20 =	simm.s32 $0x380;
	s21 =	simm.s32 $0x3F0;
	s22 =	simm.s32 $0x460  }
0xa: {  	s23 =	simm.s32 $0x2;
	s24 =	simm.s32 $0x0;
	s5 =	sand.u32 $0x1, s5  }
0xb: {  	[smem:$0x7FF] =	sst s4;
	s7 =	sshll.u32 s3, $0x1;
	s6 =	ssub.s32 $0x2, s5  }
0xc: {  	_ =	strace $0x80000047;
	s7 =	sor.u32 s5, s7;
	s9 =	sshrl.u32 s6, $0x1  }
0xd: {  	s5 =	sadd.s32 $0xE00, s8;
	s9 =	ssub.s32 s6, s9;
	s6 =	smul.u32 $0x7, s7  }
0xe: {  	v0 =	vimm.f32 $0.0e+00;
	s8 =	sadd.s32 $0x62E00, s8;
	s7 =	smul.u32 $0x310, s7;
	s9 =	smax.u32 s9, $0x1  }
.LBB2_1:
0xf: {  	s25 =	simm.s32 $0x0  }
.LBB2_2:
0x10: {  	s26 =	sadd.s32 s6, s25  }
0x11: {  	s26 =	smul.u32 $0x9A, s26;
	_ =	sdelay $0x1  }
0x12: {  	s28 =	simm.s32 $0x0;
	s26 =	sadd.s32 s2, s26  }
0x13: {  	[tilespmem:s28], [sflag:$0x1] =	stream.linear.gather [hbm4b:s26+s28], $0x4D0, $0x38;
	[tilespmem:$0x7500] =	vst v63  }
0x14: {  	s26 =	simm.s32 $0x0;
	s28 =	simm.s32 $0x200  }
.LBB2_3:
0x15: {  	p0 =	sne.s32 s28, $0xDE00;
	[tilespmem:s26+$0x3D70] =	vst v0  }
0x16: {  	[tilespmem:s26+$0x3D00] =	vst v0  }
0x17: {  	[tilespmem:s26+$0x3D10] =	vst v0  }
.Ltmp0:
0x18: {  	[tilespmem:s26+$0x3D20] =	vst v0;
	(pc) =	sbr.rel @p0 .LBB2_3-.Ltmp0, $4  }
0x19: {  	[tilespmem:s26+$0x3D30] =	vst v0  }
0x1a: {  	[tilespmem:s26+$0x3D40] =	vst v0  }
0x1b: {  	[tilespmem:s26+$0x3D50] =	vst v0  }
0x1c: {  	[tilespmem:s26+$0x3D60] =	vst v0;
	s26 =	sshra.s32 s28, $0x2;
	s28 =	sadd.s32 $0x200, s28  }
0x1d: {  	[tilespmem:s26+$0x3D70] =	vst v0  }
0x1e: {  	[tilespmem:s26+$0x3D00] =	vst v0  }
0x1f: {  	[tilespmem:s26+$0x3D10] =	vst v0  }
0x20: {  	[tilespmem:s26+$0x3D20] =	vst v0  }
0x21: {  	[tilespmem:s26+$0x3D30] =	vst v0  }
0x22: {  	[tilespmem:s26+$0x3D40] =	vst v0  }
0x23: {  	[tilespmem:s26+$0x3D50] =	vst v0  }
0x24: {  	[tilespmem:s26+$0x3D60] =	vst v0  }
0x25: {  	_ =	swait.ge [sflag:s10], $0x4D0  }
0x26: {  	[sflag:s10] =	ssyncset.done $0x0  }
0x27: {  	[sflag:s10] =	ssyncadd.s32 $0xFFFFFB30  }
0x28: {  	[tilespmem:s12], [sflag:$0x1] =	stream.indirect.gather [hbm4b:s1+s11], $0x80, s4, s11, $0xb8;
	[tilespmem:$0x7500] =	vst v63  }
0x29: {  	_ = 	snop  }
0x2a: {  	[tilespmem:s13], [sflag:$0x1] =	stream.indirect.gather.add.f32 [hbm:s1], $0x80, s11, s11, $0xb8;
	[tilespmem:$0x7500] =	vst v63  }
0x2b: {  	_ = 	snop  }
0x2c: {  	[tilespmem:s13], [sflag:$0x1] =	stream.indirect.gather.add.f32 [hbm:s1], $0x80, s14, s11, $0xb8;
	[tilespmem:$0x7500] =	vst v63  }
0x2d: {  	_ = 	snop  }
0x2e: {  	[tilespmem:s13], [sflag:$0x1] =	stream.indirect.gather.add.f32 [hbm:s1], $0x80, s15, s11, $0xb8;
	[tilespmem:$0x7500] =	vst v63  }
0x2f: {  	_ = 	snop  }
0x30: {  	[tilespmem:s13], [sflag:$0x1] =	stream.indirect.gather.add.f32 [hbm:s1], $0x80, s16, s11, $0xb8;
	[tilespmem:$0x7500] =	vst v63  }
0x31: {  	_ = 	snop  }
0x32: {  	[tilespmem:s13], [sflag:$0x1] =	stream.indirect.gather.add.f32 [hbm:s1], $0x80, s17, s11, $0xb8;
	[tilespmem:$0x7500] =	vst v63  }
0x33: {  	_ = 	snop  }
0x34: {  	[tilespmem:s13], [sflag:$0x1] =	stream.indirect.gather.add.f32 [hbm:s1], $0x80, s18, s11, $0xb8;
	[tilespmem:$0x7500] =	vst v63  }
0x35: {  	_ = 	snop  }
0x36: {  	[tilespmem:s13], [sflag:$0x1] =	stream.indirect.gather.add.f32 [hbm:s1], $0x80, s19, s11, $0xb8;
	[tilespmem:$0x7500] =	vst v63  }
0x37: {  	_ = 	snop  }
0x38: {  	[tilespmem:s13], [sflag:$0x1] =	stream.indirect.gather.add.f32 [hbm:s1], $0x80, s20, s11, $0xb8;
	[tilespmem:$0x7500] =	vst v63  }
0x39: {  	_ = 	snop  }
0x3a: {  	[tilespmem:s13], [sflag:$0x1] =	stream.indirect.gather.add.f32 [hbm:s1], $0x80, s21, s11, $0xb8;
	[tilespmem:$0x7500] =	vst v63  }
0x3b: {  	_ = 	snop  }
0x3c: {  	[tilespmem:s13], [sflag:$0x1] =	stream.indirect.gather.add.f32 [hbm:s1], $0x80, s22, s11, $0xb8;
	[tilespmem:$0x7500] =	vst v63  }
0x3d: {  	_ =	swait.ge [sflag:s10], $0x3800  }
0x3e: {  	[sflag:s10] =	ssyncset.done $0x0  }
0x3f: {  	[sflag:s10] =	ssyncadd.s32 $0xFFFFC800  }
0x40: {  	_ =	swait.ge [sflag:s10], $0x3800  }
0x41: {  	[sflag:s10] =	ssyncset.done $0x0  }
0x42: {  	[sflag:s10] =	ssyncadd.s32 $0xFFFFC800  }
0x43: {  	_ =	swait.ge [sflag:s10], $0x3800  }
0x44: {  	[sflag:s10] =	ssyncset.done $0x0  }
0x45: {  	[sflag:s10] =	ssyncadd.s32 $0xFFFFC800  }
0x46: {  	_ =	swait.ge [sflag:s10], $0x3800  }
0x47: {  	[sflag:s10] =	ssyncset.done $0x0  }
0x48: {  	[sflag:s10] =	ssyncadd.s32 $0xFFFFC800  }
0x49: {  	_ =	swait.ge [sflag:s10], $0x3800  }
0x4a: {  	[sflag:s10] =	ssyncset.done $0x0  }
0x4b: {  	[sflag:s10] =	ssyncadd.s32 $0xFFFFC800  }
0x4c: {  	_ =	swait.ge [sflag:s10], $0x3800  }
0x4d: {  	[sflag:s10] =	ssyncset.done $0x0  }
0x4e: {  	[sflag:s10] =	ssyncadd.s32 $0xFFFFC800  }
0x4f: {  	_ =	swait.ge [sflag:s10], $0x3800  }
0x50: {  	[sflag:s10] =	ssyncset.done $0x0  }
0x51: {  	[sflag:s10] =	ssyncadd.s32 $0xFFFFC800  }
0x52: {  	_ =	swait.ge [sflag:s10], $0x3800  }
0x53: {  	[sflag:s10] =	ssyncset.done $0x0  }
0x54: {  	[sflag:s10] =	ssyncadd.s32 $0xFFFFC800  }
0x55: {  	_ =	swait.ge [sflag:s10], $0x3800  }
0x56: {  	[sflag:s10] =	ssyncset.done $0x0  }
0x57: {  	[sflag:s10] =	ssyncadd.s32 $0xFFFFC800  }
0x58: {  	_ =	swait.ge [sflag:s10], $0x3800  }
0x59: {  	s31 =	smul.u32 $0x70, s25;
	[sflag:s10] =	ssyncset.done $0x0  }
0x5a: {  	[sflag:s10] =	ssyncadd.s32 $0xFFFFC800  }
0x5b: {  	s26 =	sadd.s32 s7, s31;
	_ =	swait.ge [sflag:s10], $0x3800  }
0x5c: {  	s26 =	sshll.u32 s26, $0x4;
	[sflag:s10] =	ssyncset.done $0x0  }
0x5d: {  	s28 =	sadd.s32 s5, s26;
	[sflag:s10] =	ssyncadd.s32 $0xFFFFC800  }
0x5e: {  	[hbm4b:s28+s4] =	stream.linear.scatter [tilespmem:s12], [sflag:$0x2], $0x3800, $0x38;
	[tilespmem:$0x7500] =	vst v63  }
0x5f: {  	s25 =	sadd.s32 $0x1, s25;
	_ =	swait.ge [sflag:s23], $0x3800  }
0x60: {  	p0 =	sne.s32 s25, $0x7;
	[sflag:s23] =	ssyncset.done $0x0  }
.Ltmp1:
0x61: {  	s26 =	sadd.s32 s26, s8;
	[sflag:s23] =	ssyncadd.s32 $0xFFFFC800;
	(pc) =	sbr.rel @p0 .LBB2_2-.Ltmp1, $4  }
0x62: {  	[hbm4b:s26+s4] =	stream.linear.scatter [tilespmem:s13], [sflag:$0x2], $0x3800, $0x38;
	[tilespmem:$0x7500] =	vst v63  }
0x63: {  	_ =	swait.ge [sflag:s23], $0x3800  }
0x64: {  	[sflag:s23] =	ssyncset.done $0x0  }
0x65: {  	[sflag:s23] =	ssyncadd.s32 $0xFFFFC800  }
0x66: {  	s24 =	sadd.s32 $0x1, s24  }
0x67: {  	p0 =	sne.s32 s24, s9  }
.Ltmp2:
0x68: {  	_ = 	snop;
	(pc) =	sbr.rel @p0 .LBB2_1-.Ltmp2, $1  }
0x69: {  	_ =	sdelay $0x3  }
0x6a: {  	_ =	sfence.sel $0x180000  }
0x6b: {  	[bflag:$0x0] =	sbarrier.arrive $0xFFFF  }
0x6c: {  	p0 =	sne.s32 s3, $0x0;
	_ =	strace $0x90000047  }
0x6d: {  	s0 =	sadd.s32 @!p0 $0x100000, s0;
	[bflag:$0x2] =	sbarrier.arrive $0xFFFF  }
0x6e: {  	[sflag:s0] =	ssyncadd.tile.s32 @!p0 $0x1;
	_ =	shalt  }
.Lfunc_end2:
_tile_overlayer_lowered:
.L_overlay_start_2:
0x6f: {  	(tag) =	ssettag $0x2  }
0x70: {  	s0 =	rddreg [dreg:$0x0];
	s2 =	stileid.u32  }
0x71: {  	s1 =	rddreg [dreg:$0x1];
	p0 =	sne.s32 s2, $0x0  }
0x72: {  	s3 =	rddreg [dreg:$0x2];
	[bflag:$0x3] =	sbarrier.arrive $0xFFFF;
	s2 =	simm.s32 @!p0 $0x1C02  }
0x73: {  	[timem:s3], [sflag:s2] =	dma.local @!p0 [hbm:s0], s1  }
0x74: {  	s0 =	simm.s32 @!p0 $0x2  }
0x75: {  	_ =	swait.ge @!p0 [sflag:s0], s1  }
0x76: {  	s1 =	ssub.s32 @!p0 $0x0, s1;
	[sflag:s0] =	ssyncset.done @!p0 $0x0  }
0x77: {  	[sflag:s0] =	ssyncadd.s32 @!p0 s1  }
0x78: {  	[bflag:$0x3] =	sbarrier.arrive $0xFFFF  }
0x79: {  	_ =	shalt  }

// kernel: kernel.9.cloned.1.call-start
scs
__scs_entry_jumppad:
0x0: {  	(pc) =	sbr.rel $0x88, $3  }
0x1: {  	(tag) =	ssettag $0x0;
	lr =	simm.s32 $0x1  }
0x2: {  	[smem:$0x3F9D] =	sst lr;
	_ =	strace $0xD0000000  }
0x3: {  	_ = 	snop  }
0x4: {  	_ = 	snop  }
0x5: {  	_ = 	snop  }
0x6: {  	_ = 	snop  }
0x7: {  	_ = 	snop  }
__scs_overlays_trampoline_lowered:
0x8: {  	[smem:$0x3FAC] =	sst s0  }
0x9: {  	[smem:$0x3FAD] =	sst s1  }
0xa: {  	[smem:$0x3FAE] =	sst s2  }
0xb: {  	[smem:$0x3FAF] =	sst s3  }
0xc: {  	[smem:$0x3FB0] =	sst s4  }
0xd: {  	[smem:$0x3FB1] =	sst s5  }
0xe: {  	[smem:$0x3FB2] =	sst s6  }
0xf: {  	[smem:$0x3FB3] =	sst s7  }
0x10: {  	[smem:$0x3FB4] =	sst s8  }
0x11: {  	[smem:$0x3FB5] =	sst s9;
	s0 =	simm.s32 @!p0 $0x0  }
0x12: {  	s1 =	sld [smem:$0x3F9B];
	s0 =	simm.s32 @p0 $0x1  }
0x13: {  	[smem:$0x3FB6] =	sst s0;
	s0 =	simm.s32 @!p1 $0x0  }
0x14: {  	s2 =	sld [smem:$0x3F9A];
	s0 =	simm.s32 @p1 $0x1  }
0x15: {  	[smem:$0x3FB7] =	sst s0;
	s0 =	simm.s32 @!p2 $0x0  }
0x16: {  	s3 =	sld [smem:$0x3FDB];
	s0 =	simm.s32 @p2 $0x1  }
0x17: {  	s4 =	simm.s32 $0x1BF5;
	[smem:$0x3FB9] =	sst s0  }
0x18: {  	s0 =	sld [smem:$0x3F9C];
	_ =	swait.ge [sflag:s4], $0x0  }
0x19: {  	s7 =	sld [smem:$0x3F9D]  }
0x1a: {  	s8 =	sadd.s32 $0xFFFFE003, lr  }
0x1b: {  	s9 =	sadd.s32 $0xFFFFFEF7, lr;
	s5 =	simm.s32 $0xFFFFFFFF;
	p2 =	slt.u32 s8, $0xFFFFF086  }
0x1c: {  	p1 =	slt.u32 s9, $0xF7A;
	s5 =	simm.s32 @!p2 $0x0  }
0x1d: {  	s5 =	simm.s32 @p1 $0x1;
	p0 =	seq.s32 s7, s2  }
0x1e: {  	s7 =	smul.u32 @!p0 $0xF7A, s2;
	p2 =	seq.s32 @!p0 s5, $0x0  }
0x1f: {  	s9 =	smul.u32 $0xF7A, s1;
	s8 =	simm.s32 @!p0 $0x1BF5;
	p2 =	por !p2, p0  }
0x20: {  	[sflag:s8] =	ssyncset.s32 @!p0 $0xFFFFF086;
	s6 =	sadd.s32 @!p0 s3, s7;
	s7 =	simm.s32 @!p0 $0x108  }
0x21: {  	s3 =	sadd.s32 s3, s9;
	s6 =	sadd.s32 @!p0 $0x88, s6;
	s7 =	simm.s32 @p2 $0x1082  }
0x22: {  	[simem:s7], [sflag:s8] =	dma.local @!p0 [hbm:s6], $0xF7A  }
0x23: {  	s9 =	sor.u32 $0xD0000000, s2;
	s6 =	simm.s32 $0x108;
	_ =	swait.ge @!p0 [sflag:s8], $0x0  }
0x24: {  	s3 =	sadd.s32 $0x88, s3;
	s6 =	simm.s32 @!p1 $0x1082;
	[sflag:s4] =	ssyncset.s32 $0xFFFFF086  }
0x25: {  	[simem:s6], [sflag:s4] =	dma.local [hbm:s3], $0xF7A  }
0x26: {  	[smem:$0x3F9D] =	sst s1;
	(tag) =	ssettag s2;
	_ =	strace s9  }
0x27: {  	s1 =	sld [smem:$0x3FAD]  }
0x28: {  	s2 =	sld [smem:$0x3FAE]  }
0x29: {  	s4 =	sld [smem:$0x3FB0]  }
0x2a: {  	p0 =	seq.s32 s5, $0x0;
	s5 =	sld [smem:$0x3FB1]  }
0x2b: {  	s6 =	sld [smem:$0x3FB2]  }
0x2c: {  	s7 =	sld [smem:$0x3FB3]  }
0x2d: {  	s3 =	simm.s32 $0x108;
	s8 =	sld [smem:$0x3FB4]  }
0x2e: {  	s3 =	simm.s32 @!p0 $0x1082;
	s9 =	sld [smem:$0x3FB5]  }
0x2f: {  	lr =	sadd.s32 s0, s3;
	s0 =	sld [smem:$0x3FAC]  }
0x30: {  	s3 =	sld [smem:$0x3FAF]  }
0x31: {  	[smem:$0x3FB8] =	sst s10  }
0x32: {  	s10 =	sld [smem:$0x3FB6];
	_ =	sdelay $0x3  }
0x33: {  	p0 =	seq.s32 s10, $0x1;
	s10 =	sld [smem:$0x3FB8];
	_ =	sdelay $0x3  }
0x34: {  	[smem:$0x3FB8] =	sst s10  }
0x35: {  	s10 =	sld [smem:$0x3FB7];
	_ =	sdelay $0x3  }
0x36: {  	p1 =	seq.s32 s10, $0x1;
	s10 =	sld [smem:$0x3FB8];
	_ =	sdelay $0x3  }
0x37: {  	[smem:$0x3FB8] =	sst s10  }
0x38: {  	s10 =	sld [smem:$0x3FB9]  }
0x39: {  	_ = 	snop;
	(pc) =	sbr.ind lr, $3  }
0x3a: {  	_ = 	snop  }
0x3b: {  	_ = 	snop  }
0x3c: {  	p2 =	seq.s32 s10, $0x1;
	s10 =	sld [smem:$0x3FB8]  }
0x3d: {  	_ =	shalt  }
0x3e: {  	_ =	shalt  }
0x3f: {  	_ =	shalt  }
0x40: {  	_ =	shalt  }
0x41: {  	_ =	shalt  }
0x42: {  	_ =	shalt  }
0x43: {  	_ =	shalt  }
0x44: {  	_ =	shalt  }
0x45: {  	_ =	shalt  }
0x46: {  	_ =	shalt  }
0x47: {  	_ =	shalt  }
0x48: {  	_ =	shalt  }
0x49: {  	_ =	shalt  }
0x4a: {  	_ =	shalt  }
0x4b: {  	_ =	shalt  }
0x4c: {  	_ =	shalt  }
0x4d: {  	_ =	shalt  }
0x4e: {  	_ =	shalt  }
0x4f: {  	_ =	shalt  }
0x50: {  	_ =	shalt  }
0x51: {  	_ =	shalt  }
0x52: {  	_ =	shalt  }
0x53: {  	_ =	shalt  }
0x54: {  	_ =	shalt  }
0x55: {  	_ =	shalt  }
0x56: {  	_ =	shalt  }
0x57: {  	_ =	shalt  }
0x58: {  	_ =	shalt  }
0x59: {  	_ =	shalt  }
0x5a: {  	_ =	shalt  }
0x5b: {  	_ =	shalt  }
0x5c: {  	_ =	shalt  }
0x5d: {  	_ =	shalt  }
0x5e: {  	_ =	shalt  }
0x5f: {  	_ =	shalt  }
0x60: {  	_ =	shalt  }
0x61: {  	_ =	shalt  }
0x62: {  	_ =	shalt  }
0x63: {  	_ =	shalt  }
0x64: {  	_ =	shalt  }
0x65: {  	_ =	shalt  }
0x66: {  	_ =	shalt  }
0x67: {  	_ =	shalt  }
0x68: {  	_ =	shalt  }
0x69: {  	_ =	shalt  }
0x6a: {  	_ =	shalt  }
0x6b: {  	_ =	shalt  }
0x6c: {  	_ =	shalt  }
0x6d: {  	_ =	shalt  }
0x6e: {  	_ =	shalt  }
0x6f: {  	_ =	shalt  }
0x70: {  	_ =	shalt  }
0x71: {  	_ =	shalt  }
0x72: {  	_ =	shalt  }
0x73: {  	_ =	shalt  }
0x74: {  	_ =	shalt  }
0x75: {  	_ =	shalt  }
0x76: {  	_ =	shalt  }
0x77: {  	_ =	shalt  }
0x78: {  	_ =	shalt  }
0x79: {  	_ =	shalt  }
0x7a: {  	_ =	shalt  }
0x7b: {  	_ =	shalt  }
0x7c: {  	_ =	shalt  }
0x7d: {  	_ =	shalt  }
0x7e: {  	_ =	shalt  }
0x7f: {  	_ =	shalt  }
0x80: {  	_ =	shalt  }
0x81: {  	_ =	shalt  }
0x82: {  	_ =	shalt  }
0x83: {  	_ =	shalt  }
0x84: {  	_ =	shalt  }
0x85: {  	_ =	shalt  }
0x86: {  	_ =	shalt  }
0x87: {  	_ =	shalt  }
.Lfunc_end0:
.L_simem_size_0:
called_computation.1_lowered:
.L_overlay_start_0:
0x88: {  	s2 =	sld [smem:$0x3FD9]  }
0x89: {  	s3 =	sld [smem:$0x3FFE];
	_ =	sdelay $0x1  }
0x8a: {  	s1 =	srdreg.scid  }
0x8b: {  	s0 =	sand.u32 $0x1, s1  }
0x8c: {  	s17 =	sshll.u32 s0, $0xA;
	s2 =	sadd.s32 s3, s2  }
0x8d: {  	s2 =	sadd.s32 s2, s17  }
0x8e: {  	[smem:$0x3FC4] =	sst s2  }
0x8f: {  	_ = 	snop  }
0x90: {  	s18 =	sld [smem:$0x3FC7];
	(tm) =	ssettm $0x1  }
0x91: {  	s19 =	sld [smem:$0x3FFB];
	_ =	sdelay $0x3  }
0x92: {  	_ =	strace s19  }
0x93: {  	s2 =	sld [smem:$0x3FFC];
	_ =	sdelay $0x3  }
0x94: {  	_ =	strace s2  }
0x95: {  	s2 =	sld [smem:$0x3FFD];
	_ =	sdelay $0x3  }
0x96: {  	_ =	strace s2  }
0x97: {  	_ =	strace $0x8FFFFFFF  }
0x98: {  	s20 =	sld [smem:$0x3FDB];
	_ =	sdelay $0x1  }
0x99: {  	s4 =	simm.s32 $_scs_section_size  }
0x9a: {  	s5 =	simm.s32 $_size__tile_overlayer_lowered;
	s6 =	simm.s32 $_tile_overlayer_lowered  }
0x9b: {  	s7 =	simm.s32 $0x1BFF;
	s21 =	sshll.u32 s6, $0x1;
	s4 =	sadd.s32 s4, s20  }
0x9c: {  	s22 =	simm.s32 $0x0;
	s5 =	sshll.u32 s5, $0x1;
	s6 =	sadd.s32 s21, s4  }
0x9d: {  	[timem:s22], [sflag:s7] =	dma.local [hbm:s6], s5  }
0x9e: {  	_ =	swait.ge [sflag:s7], s5  }
0x9f: {  	s5 =	ssub.s32 $0x0, s5;
	[sflag:s7] =	ssyncset.done $0x0  }
0xa0: {  	[sflag:s7] =	ssyncadd.s32 s5;
	_ =	sdelay $0x1  }
0xa1: {  	s23 =	simm.s32 $0x1B8B  }
0xa2: {  	_ =	swait.ge [sflag:s23], $0x1  }
0xa3: {  	[sflag:s23] =	ssyncset.done $0x0  }
0xa4: {  	[sflag:s23] =	ssyncadd.s32 $0xFFFFFFFF  }
0xa5: {  	s5 =	sld [smem:$0x0]  }
0xa6: {  	s6 =	sand.u32 $0xFFFFFFFE, s1  }
0xa7: {  	p0 =	sne.s32 s1, s6  }
0xa8: {  	s6 =	sshll.u32 @p0 s6, $0xE  }
0xa9: {  	s6 =	sadd.s32 @p0 $0x11B8D, s6;
	s7 =	sshll.u32 @p0 s5, $0x11  }
0xaa: {  	s6 =	sor.u32 @p0 s7, s6  }
0xab: {  	[sflag:s6] =	ssyncadd.remote.s32 @p0 $0x1;
	_ =	sdelay $0x1  }
0xac: {  	s6 =	simm.s32 @p0 $0x1B8D  }
0xad: {  	_ =	swait.eq @p0 [sflag:s6], $0x1  }
0xae: {  	[sflag:s6] =	ssyncadd.s32 @p0 $0xFFFFFFFF  }
0xaf: {  	s7 =	sshll.u32 @!p0 s1, $0xE  }
0xb0: {  	s7 =	sor.u32 @!p0 $0x4000, s7;
	s6 =	simm.s32 @!p0 $0x1B8D  }
0xb1: {  	s5 =	sshll.u32 @!p0 s5, $0x11;
	s7 =	sadd.s32 @!p0 $0x11B8D, s7;
	_ =	swait.eq @!p0 [sflag:s6], $0x1  }
0xb2: {  	s5 =	sor.u32 @!p0 s5, s7;
	[sflag:s6] =	ssyncadd.s32 @!p0 $0xFFFFFFFF  }
0xb3: {  	s25 =	simm.s32 $0x1B8E;
	s24 =	sld [smem:$0x3FFE];
	[sflag:s5] =	ssyncadd.remote.s32 @!p0 $0x1  }
0xb4: {  	s26 =	simm.s32 $execute0_lowered;
	[smem:$0x3FD2] =	sst s25  }
0xb5: {  	s6 =	sshll.u32 s26, $0x1;
	_ =	strace $0x80000049;
	[dreg:$0x1] =	wrdreg $0xFFFFFFFF  }
0xb6: {  	s28 =	simm.s32 $_size_execute0_lowered;
	s4 =	sadd.s32 s4, s6;
	[dreg:$0x0] =	wrdreg $0x0  }
0xb7: {  	s6 =	sshll.u32 s28, $0x1;
	[dreg:$0x2] =	wrdreg s4  }
0xb8: {  	[dreg:$0x3] =	wrdreg s6  }
0xb9: {  	[dreg:$0x4] =	wrdreg $0xC0  }
0xba: {  	_ =	task [dreg:s22], $0x5FFFF  }
0xbb: {  	[dreg:$0x1] =	wrdreg $0xFFFFFFFF  }
0xbc: {  	[dreg:$0x0] =	wrdreg $0x60  }
0xbd: {  	[dreg:$0x2] =	wrdreg s18  }
0xbe: {  	[dreg:$0x3] =	wrdreg s24  }
0xbf: {  	[dreg:$0x4] =	wrdreg $0xA  }
0xc0: {  	_ =	task.clear_ibuf [dreg:s22], $0x5FFFF;
	_ =	strace $0x90000049  }
0xc1: {  	s29 =	simm.s32 $0xA;
	_ =	strace $0x8000004B  }
0xc2: {  	_ =	swait.ge [sflag:s29], $0x1  }
0xc3: {  	[sflag:s29] =	ssyncadd.s32 $0xFFFFFFFF  }
0xc4: {  	_ =	strace $0x9000004B  }
0xc5: {  	_ =	sfence  }
0xc6: {  	s30 =	sld [smem:$0x0];
	_ =	sdelay $0x2  }
0xc7: {  	s31 =	sshll.u32 s1, $0xD;
	s1 =	sshrl.u32 s1, $0x2  }
0xc8: {  	s4 =	sand.u32 $0x4000, s31;
	s1 =	sadd.s32 s1, s30  }
0xc9: {  	s0 =	sor.u32 s4, s0;
	s1 =	sshll.u32 s1, $0x11  }
0xca: {  	s0 =	sor.u32 s1, s0  }
0xcb: {  	s0 =	sadd.s32 $0x8F2B, s0  }
0xcc: {  	[sflag:s0] =	ssyncadd.remote.s32 $0x1  }
0xcd: {  	_ =	sfence.sel $0xFFFF  }
0xce: {  	[dreg:$0x0] =	wrdreg $0xFFFFFFFF;
	(pc) =	sbr.abs _section_cstart, $3  }
0xcf: {  	[dreg:$0x1] =	wrdreg $0xFFFFFFFF  }
0xd0: {  	_ =	task.clear_ibuf [dreg:s22], $0x2FFFF;
	_ =	strace $0x9FFFFFFF  }
0xd1: {  	(tm) =	ssettm $0x7FFFFFFF  }
tec
execute0_lowered:
.L_overlay_start_1:
0x0: {  	(tag) =	ssettag $0x1  }
0x1: {  	s1 =	rddreg [dreg:$0x0]  }
0x2: {  	s8 =	rddreg [dreg:$0x1]  }
0x3: {  	s0 =	rddreg [dreg:$0x2];
	s3 =	simm.s32 $0x0;
	s4 =	srdreg.scid  }
0x4: {  	s2 =	stileid.u32;
	s10 =	simm.s32 $0x1;
	s11 =	simm.s32 $0x70  }
0x5: {  	s12 =	simm.s32 $0x500;
	s13 =	simm.s32 $0x3D00;
	s14 =	simm.s32 $0xE0  }
0x6: {  	s15 =	simm.s32 $0x150;
	s16 =	simm.s32 $0x1C0;
	s17 =	simm.s32 $0x230  }
0x7: {  	s18 =	simm.s32 $0x2A0;
	s19 =	simm.s32 $0x310;
	s20 =	simm.s32 $0x380  }
0x8: {  	s21 =	simm.s32 $0x3F0;
	s22 =	simm.s32 $0x460;
	s23 =	simm.s32 $0x2  }
0x9: {  	s24 =	simm.s32 $0x0;
	[smem:$0x7FF] =	sst s3;
	s5 =	sand.u32 $0x1, s4  }
0xa: {  	s7 =	sshll.u32 s2, $0x1;
	s4 =	sadd.s32 $0xC4E00, s8;
	s6 =	ssub.s32 $0x2, s5  }
0xb: {  	_ =	strace $0x8000004A;
	s7 =	sor.u32 s5, s7;
	s9 =	sshrl.u32 s6, $0x1  }
0xc: {  	s5 =	sadd.s32 $0xCD600, s8;
	s9 =	ssub.s32 s6, s9;
	s6 =	smul.u32 $0x7, s7  }
0xd: {  	v0 =	vimm.f32 $0.0e+00;
	s8 =	sadd.s32 $0x12F600, s8;
	s7 =	smul.u32 $0x310, s7;
	s9 =	smax.u32 s9, $0x1  }
.LBB2_1:
0xe: {  	s25 =	simm.s32 $0x0  }
.LBB2_2:
0xf: {  	s26 =	sadd.s32 s6, s25  }
0x10: {  	s26 =	smul.u32 $0x9A, s26;
	_ =	sdelay $0x1  }
0x11: {  	s28 =	simm.s32 $0x0;
	s26 =	sadd.s32 s4, s26  }
0x12: {  	[tilespmem:s28], [sflag:$0x1] =	stream.linear.gather [hbm4b:s26+s28], $0x4D0, $0x38;
	[tilespmem:$0x7500] =	vst v63  }
0x13: {  	s26 =	simm.s32 $0x0;
	s28 =	simm.s32 $0x200  }
.LBB2_3:
0x14: {  	p0 =	sne.s32 s28, $0xDE00;
	[tilespmem:s26+$0x3D70] =	vst v0  }
0x15: {  	[tilespmem:s26+$0x3D00] =	vst v0  }
0x16: {  	[tilespmem:s26+$0x3D10] =	vst v0  }
.Ltmp0:
0x17: {  	[tilespmem:s26+$0x3D20] =	vst v0;
	(pc) =	sbr.rel @p0 .LBB2_3-.Ltmp0, $4  }
0x18: {  	[tilespmem:s26+$0x3D30] =	vst v0  }
0x19: {  	[tilespmem:s26+$0x3D40] =	vst v0  }
0x1a: {  	[tilespmem:s26+$0x3D50] =	vst v0  }
0x1b: {  	[tilespmem:s26+$0x3D60] =	vst v0;
	s26 =	sshra.s32 s28, $0x2;
	s28 =	sadd.s32 $0x200, s28  }
0x1c: {  	[tilespmem:s26+$0x3D70] =	vst v0  }
0x1d: {  	[tilespmem:s26+$0x3D00] =	vst v0  }
0x1e: {  	[tilespmem:s26+$0x3D10] =	vst v0  }
0x1f: {  	[tilespmem:s26+$0x3D20] =	vst v0  }
0x20: {  	[tilespmem:s26+$0x3D30] =	vst v0  }
0x21: {  	[tilespmem:s26+$0x3D40] =	vst v0  }
0x22: {  	[tilespmem:s26+$0x3D50] =	vst v0  }
0x23: {  	[tilespmem:s26+$0x3D60] =	vst v0  }
0x24: {  	_ =	swait.ge [sflag:s10], $0x4D0  }
0x25: {  	[sflag:s10] =	ssyncset.done $0x0  }
0x26: {  	[sflag:s10] =	ssyncadd.s32 $0xFFFFFB30  }
0x27: {  	[tilespmem:s12], [sflag:$0x1] =	stream.indirect.gather [hbm4b:s1+s11], $0x80, s3, s11, $0xb8;
	[tilespmem:$0x7500] =	vst v63  }
0x28: {  	_ = 	snop  }
0x29: {  	[tilespmem:s13], [sflag:$0x1] =	stream.indirect.gather.add.f32 [hbm:s1], $0x80, s11, s11, $0xb8;
	[tilespmem:$0x7500] =	vst v63  }
0x2a: {  	_ = 	snop  }
0x2b: {  	[tilespmem:s13], [sflag:$0x1] =	stream.indirect.gather.add.f32 [hbm:s1], $0x80, s14, s11, $0xb8;
	[tilespmem:$0x7500] =	vst v63  }
0x2c: {  	_ = 	snop  }
0x2d: {  	[tilespmem:s13], [sflag:$0x1] =	stream.indirect.gather.add.f32 [hbm:s1], $0x80, s15, s11, $0xb8;
	[tilespmem:$0x7500] =	vst v63  }
0x2e: {  	_ = 	snop  }
0x2f: {  	[tilespmem:s13], [sflag:$0x1] =	stream.indirect.gather.add.f32 [hbm:s1], $0x80, s16, s11, $0xb8;
	[tilespmem:$0x7500] =	vst v63  }
0x30: {  	_ = 	snop  }
0x31: {  	[tilespmem:s13], [sflag:$0x1] =	stream.indirect.gather.add.f32 [hbm:s1], $0x80, s17, s11, $0xb8;
	[tilespmem:$0x7500] =	vst v63  }
0x32: {  	_ = 	snop  }
0x33: {  	[tilespmem:s13], [sflag:$0x1] =	stream.indirect.gather.add.f32 [hbm:s1], $0x80, s18, s11, $0xb8;
	[tilespmem:$0x7500] =	vst v63  }
0x34: {  	_ = 	snop  }
0x35: {  	[tilespmem:s13], [sflag:$0x1] =	stream.indirect.gather.add.f32 [hbm:s1], $0x80, s19, s11, $0xb8;
	[tilespmem:$0x7500] =	vst v63  }
0x36: {  	_ = 	snop  }
0x37: {  	[tilespmem:s13], [sflag:$0x1] =	stream.indirect.gather.add.f32 [hbm:s1], $0x80, s20, s11, $0xb8;
	[tilespmem:$0x7500] =	vst v63  }
0x38: {  	_ = 	snop  }
0x39: {  	[tilespmem:s13], [sflag:$0x1] =	stream.indirect.gather.add.f32 [hbm:s1], $0x80, s21, s11, $0xb8;
	[tilespmem:$0x7500] =	vst v63  }
0x3a: {  	_ = 	snop  }
0x3b: {  	[tilespmem:s13], [sflag:$0x1] =	stream.indirect.gather.add.f32 [hbm:s1], $0x80, s22, s11, $0xb8;
	[tilespmem:$0x7500] =	vst v63  }
0x3c: {  	_ =	swait.ge [sflag:s10], $0x3800  }
0x3d: {  	[sflag:s10] =	ssyncset.done $0x0  }
0x3e: {  	[sflag:s10] =	ssyncadd.s32 $0xFFFFC800  }
0x3f: {  	_ =	swait.ge [sflag:s10], $0x3800  }
0x40: {  	[sflag:s10] =	ssyncset.done $0x0  }
0x41: {  	[sflag:s10] =	ssyncadd.s32 $0xFFFFC800  }
0x42: {  	_ =	swait.ge [sflag:s10], $0x3800  }
0x43: {  	[sflag:s10] =	ssyncset.done $0x0  }
0x44: {  	[sflag:s10] =	ssyncadd.s32 $0xFFFFC800  }
0x45: {  	_ =	swait.ge [sflag:s10], $0x3800  }
0x46: {  	[sflag:s10] =	ssyncset.done $0x0  }
0x47: {  	[sflag:s10] =	ssyncadd.s32 $0xFFFFC800  }
0x48: {  	_ =	swait.ge [sflag:s10], $0x3800  }
0x49: {  	[sflag:s10] =	ssyncset.done $0x0  }
0x4a: {  	[sflag:s10] =	ssyncadd.s32 $0xFFFFC800  }
0x4b: {  	_ =	swait.ge [sflag:s10], $0x3800  }
0x4c: {  	[sflag:s10] =	ssyncset.done $0x0  }
0x4d: {  	[sflag:s10] =	ssyncadd.s32 $0xFFFFC800  }
0x4e: {  	_ =	swait.ge [sflag:s10], $0x3800  }
0x4f: {  	[sflag:s10] =	ssyncset.done $0x0  }
0x50: {  	[sflag:s10] =	ssyncadd.s32 $0xFFFFC800  }
0x51: {  	_ =	swait.ge [sflag:s10], $0x3800  }
0x52: {  	[sflag:s10] =	ssyncset.done $0x0  }
0x53: {  	[sflag:s10] =	ssyncadd.s32 $0xFFFFC800  }
0x54: {  	_ =	swait.ge [sflag:s10], $0x3800  }
0x55: {  	[sflag:s10] =	ssyncset.done $0x0  }
0x56: {  	[sflag:s10] =	ssyncadd.s32 $0xFFFFC800  }
0x57: {  	_ =	swait.ge [sflag:s10], $0x3800  }
0x58: {  	s31 =	smul.u32 $0x70, s25;
	[sflag:s10] =	ssyncset.done $0x0  }
0x59: {  	[sflag:s10] =	ssyncadd.s32 $0xFFFFC800  }
0x5a: {  	s26 =	sadd.s32 s7, s31;
	_ =	swait.ge [sflag:s10], $0x3800  }
0x5b: {  	s26 =	sshll.u32 s26, $0x4;
	[sflag:s10] =	ssyncset.done $0x0  }
0x5c: {  	s28 =	sadd.s32 s5, s26;
	[sflag:s10] =	ssyncadd.s32 $0xFFFFC800  }
0x5d: {  	[hbm4b:s28+s3] =	stream.linear.scatter [tilespmem:s12], [sflag:$0x2], $0x3800, $0x38;
	[tilespmem:$0x7500] =	vst v63  }
0x5e: {  	s25 =	sadd.s32 $0x1, s25;
	_ =	swait.ge [sflag:s23], $0x3800  }
0x5f: {  	p0 =	sne.s32 s25, $0x7;
	[sflag:s23] =	ssyncset.done $0x0  }
.Ltmp1:
0x60: {  	s26 =	sadd.s32 s26, s8;
	[sflag:s23] =	ssyncadd.s32 $0xFFFFC800;
	(pc) =	sbr.rel @p0 .LBB2_2-.Ltmp1, $4  }
0x61: {  	[hbm4b:s26+s3] =	stream.linear.scatter [tilespmem:s13], [sflag:$0x2], $0x3800, $0x38;
	[tilespmem:$0x7500] =	vst v63  }
0x62: {  	_ =	swait.ge [sflag:s23], $0x3800  }
0x63: {  	[sflag:s23] =	ssyncset.done $0x0  }
0x64: {  	[sflag:s23] =	ssyncadd.s32 $0xFFFFC800  }
0x65: {  	s24 =	sadd.s32 $0x1, s24  }
0x66: {  	p0 =	sne.s32 s24, s9  }
.Ltmp2:
0x67: {  	_ = 	snop;
	(pc) =	sbr.rel @p0 .LBB2_1-.Ltmp2, $1  }
0x68: {  	_ =	sdelay $0x3  }
0x69: {  	_ =	sfence.sel $0x180000  }
0x6a: {  	[bflag:$0x0] =	sbarrier.arrive $0xFFFF  }
0x6b: {  	p0 =	sne.s32 s2, $0x0;
	_ =	strace $0x9000004A  }
0x6c: {  	s0 =	sadd.s32 @!p0 $0x100000, s0;
	[bflag:$0x2] =	sbarrier.arrive $0xFFFF  }
0x6d: {  	[sflag:s0] =	ssyncadd.tile.s32 @!p0 $0x1;
	_ =	shalt  }
.Lfunc_end2:
_tile_overlayer_lowered:
.L_overlay_start_2:
0x6e: {  	(tag) =	ssettag $0x2  }
0x6f: {  	s0 =	rddreg [dreg:$0x0];
	s2 =	stileid.u32  }
0x70: {  	s1 =	rddreg [dreg:$0x1];
	p0 =	sne.s32 s2, $0x0  }
0x71: {  	s3 =	rddreg [dreg:$0x2];
	[bflag:$0x3] =	sbarrier.arrive $0xFFFF;
	s2 =	simm.s32 @!p0 $0x1C02  }
0x72: {  	[timem:s3], [sflag:s2] =	dma.local @!p0 [hbm:s0], s1  }
0x73: {  	s0 =	simm.s32 @!p0 $0x2  }
0x74: {  	_ =	swait.ge @!p0 [sflag:s0], s1  }
0x75: {  	s1 =	ssub.s32 @!p0 $0x0, s1;
	[sflag:s0] =	ssyncset.done @!p0 $0x0  }
0x76: {  	[sflag:s0] =	ssyncadd.s32 @!p0 s1  }
0x77: {  	[bflag:$0x3] =	sbarrier.arrive $0xFFFF  }
0x78: {  	_ =	shalt  }

</sc_bundles>
